<compile_context>
chip_gen: v7x
topology: tpu7x:2x2x1
jax: 0.10.2.dev20260603
libtpu: 0.0.44.dev20260713+nightly
codegen_flags: <defaults>
</compile_context>

<pallas_src>
import functools

import jax
import jax.numpy as jnp
from jax import lax
from jax.experimental import pallas as pl
from jax.experimental.pallas import tpu as pltpu
from jax.experimental.pallas import tpu_sc as plsc

N_PATCH = 512
K_NN = 32
CAP = 256
NTILE = 32
NB = 4
NPT = 16384


def _bf16_round(x):
    u = lax.bitcast_convert_type(x, jnp.uint32)
    r = (u + jnp.uint32(0x7FFF) + ((u >> jnp.uint32(16)) & jnp.uint32(1))) \
        & jnp.uint32(0xFFFF0000)
    return lax.bitcast_convert_type(r, jnp.float32)


def _sc_mesh():
    return plsc.VectorSubcoreMesh(core_axis_name="c", subcore_axis_name="s",
                                  num_cores=2, num_subcores=16)



def _fps_body(cpl_ref, idx_ref, cx_ref, cy_ref, cz_ref, *, npoint, nb, n):
    rows = 128
    cols = n // 128
    xp = cpl_ref[:, 0]
    yp = cpl_ref[:, 1]
    zp = cpl_ref[:, 2]
    flat = (jax.lax.broadcasted_iota(jnp.int32, (nb, rows, cols), 1) * cols
            + jax.lax.broadcasted_iota(jnp.int32, (nb, rows, cols), 2)
            ).astype(jnp.float32)

    def step(i, carry):
        dists, far = carry
        m2 = (flat == far[:, None, None]).astype(jnp.float32)
        cx = jnp.sum(jnp.sum(xp * m2, axis=2), axis=1)
        cy = jnp.sum(jnp.sum(yp * m2, axis=2), axis=1)
        cz = jnp.sum(jnp.sum(zp * m2, axis=2), axis=1)
        for b in range(nb):
            idx_ref[b, pl.ds(i, 1), :] = far[b].astype(jnp.int32)[None, None]
            cx_ref[b, pl.ds(i, 1), :] = cx[b][None, None]
            cy_ref[b, pl.ds(i, 1), :] = cy[b][None, None]
            cz_ref[b, pl.ds(i, 1), :] = cz[b][None, None]
        dx = xp - cx[:, None, None]
        dy = yp - cy[:, None, None]
        dz = zp - cz[:, None, None]
        d = dx * dx + dy * dy + dz * dz
        dists = jnp.minimum(dists, d)
        mx = jnp.max(jnp.max(dists, axis=2), axis=1)
        cand = jnp.where(dists == mx[:, None, None], flat, jnp.float32(1 << 30))
        far_new = jnp.min(jnp.min(cand, axis=2), axis=1)
        return dists, far_new

    dists0 = jnp.full((nb, rows, cols), 1e10, dtype=jnp.float32)
    far0 = jnp.zeros((nb,), dtype=jnp.float32)
    jax.lax.fori_loop(0, npoint, step, (dists0, far0))


def _fps_pallas(coords, npoint):
    B, N, _ = coords.shape
    cpl = coords.transpose(0, 2, 1).reshape(B, 3, 128, N // 128)
    idx, cx, cy, cz = pl.pallas_call(
        functools.partial(_fps_body, npoint=npoint, nb=B, n=N),
        out_shape=[
            jax.ShapeDtypeStruct((B, npoint, 1), jnp.int32),
            jax.ShapeDtypeStruct((B, npoint, 1), jnp.float32),
            jax.ShapeDtypeStruct((B, npoint, 1), jnp.float32),
            jax.ShapeDtypeStruct((B, npoint, 1), jnp.float32),
        ],
    )(cpl)
    centers = jnp.concatenate([cx, cy, cz], axis=-1)
    return idx[..., 0], centers



def _thresh_body(cq_ref, cpq_ref, c2_ref, mx2_ref, x2_ref, tp_ref, *, n):
    d2 = jnp.dot(cq_ref[0], cpq_ref[0], preferred_element_type=jnp.float32)
    d2 = jnp.maximum(d2 + c2_ref[0] + x2_ref[0], 0.0)
    gm = d2[:, 0:512]
    for a in range(1, n // 512):
        gm = jnp.minimum(gm, d2[:, a * 512:(a + 1) * 512])
    km = lax.bitcast_convert_type(gm, jnp.int32)
    lo0 = jnp.full((128, 1), -1, jnp.int32)
    hi0 = jnp.max(km, axis=1, keepdims=True)

    def bis(_, carry):
        lo, hi = carry
        mid = lo + ((hi - lo) >> 1)
        cnt = jnp.sum((km <= mid).astype(jnp.float32), axis=1, keepdims=True)
        pred = cnt >= 33.0
        return jnp.where(pred, lo, mid), jnp.where(pred, mid, hi)

    lo, hi = lax.fori_loop(0, 31, bis, (lo0, hi0))
    t33 = lax.bitcast_convert_type(hi, jnp.float32)
    tp_ref[0] = t33 + 4e-6 * (c2_ref[0] + mx2_ref[0])


def _knn_thresh(cq, cpq, c2, mx2, x2r):
    B = cq.shape[0]
    G = cq.shape[1]
    n = cpq.shape[2]
    return pl.pallas_call(
        functools.partial(_thresh_body, n=n),
        grid=(B, G // 128),
        in_specs=[
            pl.BlockSpec((1, 128, 8), lambda b, r: (b, r, 0)),
            pl.BlockSpec((1, 8, n), lambda b, r: (b, 0, 0)),
            pl.BlockSpec((1, 128, 1), lambda b, r: (b, r, 0)),
            pl.BlockSpec((1, 1, 1), lambda b, r: (b, 0, 0)),
            pl.BlockSpec((1, 1, n), lambda b, r: (b, 0, 0)),
        ],
        out_specs=pl.BlockSpec((1, 128, 1), lambda b, r: (b, r, 0)),
        out_shape=jax.ShapeDtypeStruct((B, G, 1), jnp.float32),
    )(cq, cpq, c2, mx2, x2r)



def _compact_body(xh, yh, zh, x2h, cxh, cyh, czh, c2h, tph, cval, cidx,
                  xs, ys, zs, x2s, cxs, cys, czs, c2s, tps, cvb, cib):
    wid = lax.axis_index("c") * 16 + lax.axis_index("s")
    b = wid // 8
    rb = (wid % 8) * 64
    rowbase = b * 512 + rb
    pltpu.sync_copy(xh.at[pl.ds(b * NPT, NPT)], xs)
    pltpu.sync_copy(yh.at[pl.ds(b * NPT, NPT)], ys)
    pltpu.sync_copy(zh.at[pl.ds(b * NPT, NPT)], zs)
    pltpu.sync_copy(x2h.at[pl.ds(b * NPT, NPT)], x2s)
    pltpu.sync_copy(cxh.at[pl.ds(rowbase, 64)], cxs)
    pltpu.sync_copy(cyh.at[pl.ds(rowbase, 64)], cys)
    pltpu.sync_copy(czh.at[pl.ds(rowbase, 64)], czs)
    pltpu.sync_copy(c2h.at[pl.ds(rowbase, 64)], c2s)
    pltpu.sync_copy(tph.at[pl.ds(rowbase, 64)], tps)
    inf16 = jnp.full((16,), jnp.inf, jnp.float32)
    zero16 = jnp.zeros((16,), jnp.int32)
    lane = lax.iota(jnp.int32, 16)

    def row(r, _):
        rv = jnp.full((16,), r, jnp.int32)
        cxv = plsc.load_gather(cxs, [rv])
        cyv = plsc.load_gather(cys, [rv])
        czv = plsc.load_gather(czs, [rv])
        c2v = plsc.load_gather(c2s, [rv])
        tpv = plsc.load_gather(tps, [rv])
        for j in range(CAP // 16):
            cvb[pl.ds(j * 16, 16)] = inf16
            cib[pl.ds(j * 16, 16)] = zero16

        def chunk(cc, wp):
            xv = xs[pl.ds(cc * 16, 16)]
            yv = ys[pl.ds(cc * 16, 16)]
            zv = zs[pl.ds(cc * 16, 16)]
            x2v = x2s[pl.ds(cc * 16, 16)]
            e = cxv * xv + cyv * yv + czv * zv
            d2 = jnp.maximum(c2v + x2v - 2.0 * e, 0.0)
            m = d2 <= tpv
            cum = plsc.cumsum(m.astype(jnp.int32))
            tgt = jnp.minimum(wp + cum - 1, CAP - 1)
            plsc.store_scatter(cvb, [tgt], d2, mask=m)
            plsc.store_scatter(cib, [tgt], lane + cc * 16, mask=m)
            return wp + plsc.all_reduce_population_count(m)

        lax.fori_loop(0, 1024, chunk, jnp.zeros((16,), jnp.int32))
        grow = rowbase + r
        pltpu.sync_copy(cvb, cval.at[pl.ds(grow * CAP, CAP)])
        pltpu.sync_copy(cib, cidx.at[pl.ds(grow * CAP, CAP)])
        return 0

    lax.fori_loop(0, 64, row, 0)


def _compact_sc(xh, yh, zh, x2h, cxh, cyh, czh, c2h, tph):
    kfn = pl.kernel(
        _compact_body,
        out_type=[
            jax.ShapeDtypeStruct((NB * N_PATCH * CAP,), jnp.float32),
            jax.ShapeDtypeStruct((NB * N_PATCH * CAP,), jnp.int32),
        ],
        mesh=_sc_mesh(),
        compiler_params=pltpu.CompilerParams(needs_layout_passes=False),
        scratch_types=[
            pltpu.VMEM((NPT,), jnp.float32),
            pltpu.VMEM((NPT,), jnp.float32),
            pltpu.VMEM((NPT,), jnp.float32),
            pltpu.VMEM((NPT,), jnp.float32),
            pltpu.VMEM((64,), jnp.float32),
            pltpu.VMEM((64,), jnp.float32),
            pltpu.VMEM((64,), jnp.float32),
            pltpu.VMEM((64,), jnp.float32),
            pltpu.VMEM((64,), jnp.float32),
            pltpu.VMEM((CAP,), jnp.float32),
            pltpu.VMEM((CAP,), jnp.int32),
        ],
    )
    return kfn(xh, yh, zh, x2h, cxh, cyh, czh, c2h, tph)



def _exact_body(cv_ref, t_ref, clt_ref):
    k = lax.bitcast_convert_type(cv_ref[...], jnp.int32)
    R = k.shape[0]
    lo0 = jnp.full((R, 1), -1, jnp.int32)
    hi0 = jnp.max(k, axis=1, keepdims=True)

    def bis(_, carry):
        lo, hi = carry
        mid = lo + ((hi - lo) >> 1)
        cnt = jnp.sum((k <= mid).astype(jnp.float32), axis=1, keepdims=True)
        pred = cnt >= 32.0
        return jnp.where(pred, lo, mid), jnp.where(pred, mid, hi)

    lo, hi = lax.fori_loop(0, 31, bis, (lo0, hi0))
    t_ref[...] = lax.bitcast_convert_type(hi, jnp.float32)
    clt_ref[...] = jnp.sum((k < hi).astype(jnp.float32), axis=1,
                           keepdims=True).astype(jnp.int32)


def _exact32(cval):
    R = cval.shape[0]
    blk = 256
    t, clt = pl.pallas_call(
        _exact_body,
        grid=(R // blk,),
        in_specs=[pl.BlockSpec((blk, CAP), lambda i: (i, 0))],
        out_specs=[pl.BlockSpec((blk, 1), lambda i: (i, 0)),
                   pl.BlockSpec((blk, 1), lambda i: (i, 0))],
        out_shape=[jax.ShapeDtypeStruct((R, 1), jnp.float32),
                   jax.ShapeDtypeStruct((R, 1), jnp.int32)],
    )(cval)
    return t[:, 0], clt[:, 0]



def _select_body(cval, cidx, th, clth, cgxh, xh, yh, zh, cxh, cyh, czh,
                 feats2d,
                 gfe, cfe, relp,
                 xs, ys, zs, cxs, cys, czs, ts, clts, cgxs,
                 cvb, cib, idxb, gidxb, rowsb, relb, sem):
    wid = lax.axis_index("c") * 16 + lax.axis_index("s")
    b = wid // 8
    rb = (wid % 8) * 64
    gbase = b * 512 + rb
    pltpu.sync_copy(xh.at[pl.ds(b * NPT, NPT)], xs)
    pltpu.sync_copy(yh.at[pl.ds(b * NPT, NPT)], ys)
    pltpu.sync_copy(zh.at[pl.ds(b * NPT, NPT)], zs)
    pltpu.sync_copy(cxh.at[pl.ds(gbase, 64)], cxs)
    pltpu.sync_copy(cyh.at[pl.ds(gbase, 64)], cys)
    pltpu.sync_copy(czh.at[pl.ds(gbase, 64)], czs)
    pltpu.sync_copy(th.at[pl.ds(gbase, 64)], ts)
    pltpu.sync_copy(clth.at[pl.ds(gbase, 64)], clts)
    pltpu.sync_copy(cgxh.at[pl.ds(gbase, 64)], cgxs)
    lane = lax.iota(jnp.int32, 16)
    zero16f = jnp.zeros((16,), jnp.float32)
    for j in range(16):
        relb[pl.ds(j * 16, 16)] = zero16f

    def row(r, _):
        grow = gbase + r
        pltpu.sync_copy(cval.at[pl.ds(grow * CAP, CAP)], cvb)
        pltpu.sync_copy(cidx.at[pl.ds(grow * CAP, CAP)], cib)
        rv = jnp.full((16,), r, jnp.int32)
        tv = plsc.load_gather(ts, [rv])
        cltv = plsc.load_gather(clts, [rv])
        cxv = plsc.load_gather(cxs, [rv])
        cyv = plsc.load_gather(cys, [rv])
        czv = plsc.load_gather(czs, [rv])
        cgv = plsc.load_gather(cgxs, [rv])

        def chunk(cc, carry):
            wlt, weq = carry
            v = cvb[pl.ds(cc * 16, 16)]
            iv = cib[pl.ds(cc * 16, 16)]
            mlt = v < tv
            meq = v == tv
            cumlt = plsc.cumsum(mlt.astype(jnp.int32))
            cumeq = plsc.cumsum(meq.astype(jnp.int32))
            tl = wlt + cumlt - 1
            te = cltv + weq + cumeq - 1
            tgt = jnp.where(mlt, tl, te)
            sel = mlt | (meq & (tgt <= K_NN - 1))
            tgt = jnp.clip(tgt, 0, K_NN - 1)
            plsc.store_scatter(idxb, [tgt], iv, mask=sel)
            return (wlt + plsc.all_reduce_population_count(mlt),
                    weq + plsc.all_reduce_population_count(meq))

        z16 = jnp.zeros((16,), jnp.int32)
        lax.fori_loop(0, CAP // 16, chunk, (z16, z16))
        for h in range(2):
            k16 = idxb[pl.ds(h * 16, 16)]
            xg = plsc.load_gather(xs, [k16]) - cxv
            yg = plsc.load_gather(ys, [k16]) - cyv
            zg = plsc.load_gather(zs, [k16]) - czv
            base = (lane + h * 16) * 8
            plsc.store_scatter(relb, [base], xg)
            plsc.store_scatter(relb, [base + 1], yg)
            plsc.store_scatter(relb, [base + 2], zg)
            gidxb[pl.ds(h * 16, 16)] = k16 + b * NPT
        m0 = lane == 0
        plsc.store_scatter(gidxb, [jnp.full((16,), 32, jnp.int32)], cgv,
                           mask=m0)
        pltpu.async_copy(feats2d.at[gidxb], rowsb, sem).wait()
        pltpu.sync_copy(rowsb.at[pl.ds(0, 32)], gfe.at[grow])
        pltpu.sync_copy(rowsb.at[pl.ds(32, 1)], cfe.at[grow])
        pltpu.sync_copy(relb, relp.at[pl.ds(grow * K_NN * 8, K_NN * 8)])
        return 0

    lax.fori_loop(0, 64, row, 0)


def _select_gather(cval, cidx, t, clt, cgx, xh, yh, zh, cxh, cyh, czh,
                   feats2d):
    C = feats2d.shape[1]
    R = NB * N_PATCH
    kfn = pl.kernel(
        _select_body,
        out_type=[
            jax.ShapeDtypeStruct((R, K_NN, C), jnp.float32),
            jax.ShapeDtypeStruct((R, 1, C), jnp.float32),
            jax.ShapeDtypeStruct((R * K_NN * 8,), jnp.float32),
        ],
        mesh=_sc_mesh(),
        compiler_params=pltpu.CompilerParams(needs_layout_passes=False),
        scratch_types=[
            pltpu.VMEM((NPT,), jnp.float32),
            pltpu.VMEM((NPT,), jnp.float32),
            pltpu.VMEM((NPT,), jnp.float32),
            pltpu.VMEM((64,), jnp.float32),
            pltpu.VMEM((64,), jnp.float32),
            pltpu.VMEM((64,), jnp.float32),
            pltpu.VMEM((64,), jnp.float32),
            pltpu.VMEM((64,), jnp.int32),
            pltpu.VMEM((64,), jnp.int32),
            pltpu.VMEM((CAP,), jnp.float32),
            pltpu.VMEM((CAP,), jnp.int32),
            pltpu.VMEM((K_NN,), jnp.int32),
            pltpu.VMEM((K_NN + 1,), jnp.int32),
            pltpu.VMEM((K_NN + 1, C), jnp.float32),
            pltpu.VMEM((K_NN * 8,), jnp.float32),
            pltpu.SemaphoreType.DMA,
        ],
    )
    return kfn(cval, cidx, t, clt, cgx, xh, yh, zh, cxh, cyh, czh, feats2d)



def _mlp_body(rel_ref, gf_ref, cf_ref, w1c_ref, w1f_ref, b1_ref, w2a_ref,
              w2b_ref, b2_ref, w3_ref, b3_ref, out_ref, *, gb, k):
    rb = gb * k
    cf = jnp.broadcast_to(cf_ref[...][:, None, :], (gb, k, 128)).reshape(rb, 128)
    gf = gf_ref[...] - cf
    h = jnp.dot(rel_ref[...], w1c_ref[...], preferred_element_type=jnp.float32)
    h = h + jnp.dot(gf, w1f_ref[...], preferred_element_type=jnp.float32)
    h = jnp.maximum(h + b1_ref[...], 0.0)
    g = jnp.max(h.reshape(gb, k, 128), axis=1)
    gbk = jnp.broadcast_to(g[:, None, :], (gb, k, 128)).reshape(rb, 128)
    h2 = jnp.dot(h, w2a_ref[...], preferred_element_type=jnp.float32)
    h2 = h2 + jnp.dot(gbk, w2b_ref[...], preferred_element_type=jnp.float32)
    h2 = jnp.maximum(h2 + b2_ref[...], 0.0)
    f = jnp.max(h2.reshape(gb, k, 512), axis=1)
    out_ref[...] = jnp.dot(f, w3_ref[...], preferred_element_type=jnp.float32) + b3_ref[...]


def _encode_patches(rel_p, gf, cf, W1, b1, W2, b2, W3, b3):
    M = rel_p.shape[0]
    gb = 64
    k = K_NN
    rb = gb * k
    grid = (M // rb,)
    w1c = jnp.zeros((8, 128), jnp.float32).at[:3].set(W1[:3])
    w1f = W1[3:]
    out = pl.pallas_call(
        functools.partial(_mlp_body, gb=gb, k=k),
        grid=grid,
        in_specs=[
            pl.BlockSpec((rb, 8), lambda i: (i, 0)),
            pl.BlockSpec((rb, 128), lambda i: (i, 0)),
            pl.BlockSpec((gb, 128), lambda i: (i, 0)),
            pl.BlockSpec((8, 128), lambda i: (0, 0)),
            pl.BlockSpec((128, 128), lambda i: (0, 0)),
            pl.BlockSpec((1, 128), lambda i: (0, 0)),
            pl.BlockSpec((128, 512), lambda i: (0, 0)),
            pl.BlockSpec((128, 512), lambda i: (0, 0)),
            pl.BlockSpec((1, 512), lambda i: (0, 0)),
            pl.BlockSpec((512, 384), lambda i: (0, 0)),
            pl.BlockSpec((1, 384), lambda i: (0, 0)),
        ],
        out_specs=pl.BlockSpec((gb, 384), lambda i: (i, 0)),
        out_shape=jax.ShapeDtypeStruct((M // k, 384), jnp.float32),
    )(rel_p, gf, cf, w1c, w1f, b1[None, :], W2[:128], W2[128:], b2[None, :],
      W3, b3[None, :])
    return out



def kernel(coords, features, W1, b1, W2, b2, W3, b3):
    B, N, C = features.shape
    center_idx, centers = _fps_pallas(coords, N_PATCH)
    coordsb = _bf16_round(coords)
    centersb = _bf16_round(centers)
    c3b = coordsb.transpose(0, 2, 1)
    x2 = jnp.sum(coords * coords, axis=-1)
    cpq = jnp.concatenate(
        [-2.0 * c3b, jnp.zeros((B, 5, N), jnp.float32)], axis=1)
    cq = jnp.concatenate(
        [centersb, jnp.zeros((B, N_PATCH, 5), jnp.float32)], axis=-1)
    c2 = jnp.sum(centers * centers, axis=-1, keepdims=True)
    mx2 = jnp.max(x2, axis=1)[:, None, None]
    tp = _knn_thresh(cq, cpq, c2, mx2, x2[:, None, :])[..., 0].reshape(-1)
    xh = coords[..., 0].reshape(-1)
    yh = coords[..., 1].reshape(-1)
    zh = coords[..., 2].reshape(-1)
    cxh = centers[..., 0].reshape(-1)
    cyh = centers[..., 1].reshape(-1)
    czh = centers[..., 2].reshape(-1)
    cval, cidx = _compact_sc(coordsb[..., 0].reshape(-1),
                             coordsb[..., 1].reshape(-1),
                             coordsb[..., 2].reshape(-1),
                             x2.reshape(-1),
                             centersb[..., 0].reshape(-1),
                             centersb[..., 1].reshape(-1),
                             centersb[..., 2].reshape(-1),
                             c2[..., 0].reshape(-1), tp)
    R = B * N_PATCH
    t, clt = _exact32(cval.reshape(R, CAP))
    cgx = (center_idx + jnp.arange(B, dtype=jnp.int32)[:, None] * N).reshape(-1)
    gfe, cfe, relp = _select_gather(cval, cidx, t, clt, cgx, xh, yh, zh,
                                    cxh, cyh, czh, features.reshape(B * N, C))
    M = B * N_PATCH * K_NN
    emb = _encode_patches(relp.reshape(M, 8), gfe.reshape(M, C),
                          cfe.reshape(R, C), W1, b1, W2, b2, W3, b3)
    return emb.reshape(B, N_PATCH, 384)

# --- scband reference (transcript-rebuilt; emitter-appended) ---
"""Pipeline reference for scband-patch-embed-46677704573735 (READ-ONLY COPY).

The authoritative reference and input builder live on the scoring server;
editing this copy changes nothing except your own understanding.
"""

import jax, jax.numpy as jnp
import numpy as np

NUM_PATCHES = 512
PATCH_SIZE = 32


def setup_inputs(seed: int = 0):
    key = jax.random.key(seed)
    ks = jax.random.split(key, 6)
    B, N, C = 4, 16384, 128
    in_ch, out_ch = 3 + C, 384
    inp = {}
    inp["coords"] = jax.random.normal(ks[0], (B, N, 3), dtype=jnp.float32)
    inp["features"] = jax.random.normal(ks[1], (B, N, C), dtype=jnp.float32)
    inp["W1"] = jax.random.normal(ks[2], (in_ch, 128), dtype=jnp.float32) * (1.0 / np.sqrt(in_ch))
    inp["b1"] = jnp.zeros((128,), dtype=jnp.float32)
    inp["W2"] = jax.random.normal(ks[3], (256, 512), dtype=jnp.float32) * (1.0 / np.sqrt(256.0))
    inp["b2"] = jnp.zeros((512,), dtype=jnp.float32)
    inp["W3"] = jax.random.normal(ks[4], (512, out_ch), dtype=jnp.float32) * (1.0 / np.sqrt(512.0))
    inp["b3"] = jnp.zeros((out_ch,), dtype=jnp.float32)
    return inp


def _fps(coords, npoint):
    # farthest point sampling -> center indices [B, npoint]
    B, N, _ = coords.shape
    def body(i, state):
        dists, idxs, farthest = state
        idxs = idxs.at[:, i].set(farthest)
        centroid = jnp.take_along_axis(coords, farthest[:, None, None], axis=1)  # [B,1,3]
        d = jnp.sum((coords - centroid) ** 2, axis=-1)  # [B,N]
        dists = jnp.minimum(dists, d)
        farthest = jnp.argmax(dists, axis=-1).astype(jnp.int32)
        return dists, idxs, farthest
    dists = jnp.full((B, N), 1e10, dtype=jnp.float32)
    idxs = jnp.zeros((B, npoint), dtype=jnp.int32)
    farthest = jnp.zeros((B,), dtype=jnp.int32)
    _, idxs, _ = jax.lax.fori_loop(0, npoint, body, (dists, idxs, farthest))
    return idxs


def _knn_idx(coords, centers, k):
    # squared euclidean distances centers->points, take k nearest
    c2 = jnp.sum(centers * centers, axis=-1)  # [B,G]
    x2 = jnp.sum(coords * coords, axis=-1)    # [B,N]
    d2 = c2[:, :, None] + x2[:, None, :] - 2.0 * jnp.einsum('bgd,bnd->bgn', centers, coords)
    _, idx = jax.lax.top_k(-d2, k)  # [B,G,k]
    return idx


def _gather_points(x, idx):
    # x [B,N,D], idx [B,G,K] -> [B,G,K,D]
    B, G, K = idx.shape
    flat = idx.reshape(B, G * K)
    out = jnp.take_along_axis(x, flat[:, :, None], axis=1)
    return out.reshape(B, G, K, x.shape[-1])


def reference(coords, features, W1, b1, W2, b2, W3, b3):
    # KNNGrouper: FPS centers + kNN grouping, centralize coords and features
    center_idx = _fps(coords, NUM_PATCHES)                                   # [B,G]
    centers = jnp.take_along_axis(coords, center_idx[:, :, None], axis=1)   # [B,G,3]
    knn = _knn_idx(coords, centers, PATCH_SIZE)                              # [B,G,K]
    g_coords = _gather_points(coords, knn)                                   # [B,G,K,3]
    g_feats = _gather_points(features, knn)                                  # [B,G,K,C]
    rel = g_coords - centers[:, :, None, :]
    center_feats = jnp.take_along_axis(features, center_idx[:, :, None], axis=1)  # [B,G,C]
    g_feats = g_feats - center_feats[:, :, None, :]  # centralize_features=True
    pf = jnp.concatenate([rel, g_feats], axis=-1)    # [B,G,K,3+C]
    # PatchEncoder: two-stage PointNet with hidden dims [128, 512]
    h = jax.nn.relu(pf @ W1 + b1)                    # [B,G,K,128]
    g = jnp.max(h, axis=2)                           # [B,G,128]
    h2 = jnp.concatenate([h, jnp.broadcast_to(g[:, :, None, :], h.shape)], axis=-1)  # [B,G,K,256]
    h2 = jax.nn.relu(h2 @ W2 + b2)                   # [B,G,K,512]
    f = jnp.max(h2, axis=2)                          # [B,G,512]
    emb = f @ W3 + b3                                # [B,G,out_channels]
    return emb

if __name__ == "__main__":
    import jax
    _d = setup_inputs()
    print(jax.jit(kernel)(*tuple(_d.values())))

</pallas_src>

<mosaic_0001>
#map = affine_map<(d0, d1) -> (0)>
#map1 = affine_map<(d0, d1) -> (0, 0)>
#map2 = affine_map<(d0, d1) -> (0, 0, 0)>
module attributes {stable_mosaic.version = 14 : i64} {
  func.func @_select_body(%arg0: i32, %arg1: i32, %arg2: memref<524288xf32, #tpu.memory_space<hbm>>, %arg3: memref<524288xi32, #tpu.memory_space<hbm>>, %arg4: memref<2048xf32, #tpu.memory_space<hbm>>, %arg5: memref<2048xi32, #tpu.memory_space<hbm>>, %arg6: memref<2048xi32, #tpu.memory_space<hbm>>, %arg7: memref<65536xf32, #tpu.memory_space<hbm>>, %arg8: memref<65536xf32, #tpu.memory_space<hbm>>, %arg9: memref<65536xf32, #tpu.memory_space<hbm>>, %arg10: memref<2048xf32, #tpu.memory_space<hbm>>, %arg11: memref<2048xf32, #tpu.memory_space<hbm>>, %arg12: memref<2048xf32, #tpu.memory_space<hbm>>, %arg13: memref<65536x128xf32, #tpu.memory_space<hbm>>, %arg14: memref<2048x32x128xf32, #tpu.memory_space<hbm>>, %arg15: memref<2048x1x128xf32, #tpu.memory_space<hbm>>, %arg16: memref<524288xf32, #tpu.memory_space<hbm>>, %arg17: memref<16384xf32, #tpu.memory_space<vmem>>, %arg18: memref<16384xf32, #tpu.memory_space<vmem>>, %arg19: memref<16384xf32, #tpu.memory_space<vmem>>, %arg20: memref<64xf32, #tpu.memory_space<vmem>>, %arg21: memref<64xf32, #tpu.memory_space<vmem>>, %arg22: memref<64xf32, #tpu.memory_space<vmem>>, %arg23: memref<64xf32, #tpu.memory_space<vmem>>, %arg24: memref<64xi32, #tpu.memory_space<vmem>>, %arg25: memref<64xi32, #tpu.memory_space<vmem>>, %arg26: memref<256xf32, #tpu.memory_space<vmem>>, %arg27: memref<256xi32, #tpu.memory_space<vmem>>, %arg28: memref<32xi32, #tpu.memory_space<vmem>>, %arg29: memref<33xi32, #tpu.memory_space<vmem>>, %arg30: memref<33x128xf32, #tpu.memory_space<vmem>>, %arg31: memref<256xf32, #tpu.memory_space<vmem>>, %arg32: memref<!tpu.dma_semaphore, #tpu.memory_space<semaphore_mem>>) attributes {dimension_semantics = [#tpu.dimension_semantics<core_parallel>, #tpu.dimension_semantics<subcore_parallel>], iteration_bounds = array<i64: 2, 16>, scalar_prefetch = 0 : i64, scratch_operands = 16 : i64, tpu.core_type = #tpu.core_type<sc_vector_subcore>, window_params = [{transform_indices = #map}, {transform_indices = #map}, {transform_indices = #map}, {transform_indices = #map}, {transform_indices = #map}, {transform_indices = #map}, {transform_indices = #map}, {transform_indices = #map}, {transform_indices = #map}, {transform_indices = #map}, {transform_indices = #map}, {transform_indices = #map1}, {transform_indices = #map2}, {transform_indices = #map2}, {transform_indices = #map}]} {
    %mul3A = arith.constant 16 : i32
    %mul3A_0 = arith.muli %arg0, %mul3A : i32
    %add3A = arith.addi %mul3A_0, %arg1 : i32
    %jit3A = arith.constant 8 : i32
    %div3A = arith.divsi %add3A, %jit3A : i32
    %sign3A = arith.constant 0 : i32
    %sign3A_1 = arith.cmpi sgt, %add3A, %sign3A : i32
    %sign3A_2 = arith.extui %sign3A_1 : i1 to i32
    %sign3A_3 = arith.constant 0 : i32
    %sign3A_4 = arith.cmpi slt, %add3A, %sign3A_3 : i32
    %sign3A_5 = arith.extui %sign3A_4 : i1 to i32
    %sign3A_6 = arith.subi %sign3A_2, %sign3A_5 : i32
    %sign3A_7 = arith.constant 0 : i32
    %sign3A_8 = arith.cmpi sgt, %jit3A, %sign3A_7 : i32
    %sign3A_9 = arith.extui %sign3A_8 : i1 to i32
    %sign3A_10 = arith.constant 0 : i32
    %sign3A_11 = arith.cmpi slt, %jit3A, %sign3A_10 : i32
    %sign3A_12 = arith.extui %sign3A_11 : i1 to i32
    %sign3A_13 = arith.subi %sign3A_9, %sign3A_12 : i32
    %ne3A = arith.cmpi ne, %sign3A_6, %sign3A_13 : i32
    %rem3A = arith.remsi %add3A, %jit3A : i32
    %ne3A_14 = arith.constant 0 : i32
    %ne3A_15 = arith.cmpi ne, %rem3A, %ne3A_14 : i32
    %and3A = arith.andi %ne3A, %ne3A_15 : i1
    %sub3A = arith.constant 1 : i32
    %sub3A_16 = arith.subi %div3A, %sub3A : i32
    %select_n3A = arith.select %and3A, %sub3A_16, %div3A : i32
    %jit3A_17 = arith.constant 8 : i32
    %eq3A = arith.constant 0 : i32
    %eq3A_18 = arith.cmpi eq, %jit3A_17, %eq3A : i32
    %jit3A_19 = arith.constant 1 : i32
    %select_n3A_20 = arith.select %eq3A_18, %jit3A_19, %jit3A_17 : i32
    %rem3A_21 = arith.remsi %add3A, %select_n3A_20 : i32
    %ne3A_22 = arith.constant 0 : i32
    %ne3A_23 = arith.cmpi ne, %rem3A_21, %ne3A_22 : i32
    %lt3A = arith.constant 0 : i32
    %lt3A_24 = arith.cmpi slt, %rem3A_21, %lt3A : i32
    %lt3A_25 = arith.constant 0 : i32
    %lt3A_26 = arith.cmpi slt, %select_n3A_20, %lt3A_25 : i32
    %ne3A_27 = arith.xori %lt3A_24, %lt3A_26 : i1
    %and3A_28 = arith.andi %ne3A_27, %ne3A_23 : i1
    %add3A_29 = arith.addi %rem3A_21, %select_n3A_20 : i32
    %select_n3A_30 = arith.select %and3A_28, %add3A_29, %rem3A_21 : i32
    %mul3A_31 = arith.constant 64 : i32
    %mul3A_32 = arith.muli %select_n3A_30, %mul3A_31 : i32
    %mul3A_33 = arith.constant 512 : i32
    %mul3A_34 = arith.muli %select_n3A, %mul3A_33 : i32
    %add3A_35 = arith.addi %mul3A_34, %mul3A_32 : i32
    %mul3A_36 = arith.constant 16384 : i32
    %mul3A_37 = arith.muli %select_n3A, %mul3A_36 : i32
    "tpu.region"() ({
      %run_scoped3A = tpu.sem_alloc : memref<!tpu.dma_semaphore, #tpu.memory_space<semaphore_mem>>
      %dma_start3A = tpu.memref_slice %arg7[%mul3A_37] : memref<65536xf32, #tpu.memory_space<hbm>> -> memref<16384xf32, #tpu.memory_space<hbm>>
      %dma_start3A_80 = tpu.memref_slice %arg7[%mul3A_37] : memref<65536xf32, #tpu.memory_space<hbm>> -> memref<16384xf32, #tpu.memory_space<hbm>>
      tpu.enqueue_dma source(%dma_start3A_80 : memref<16384xf32, #tpu.memory_space<hbm>>) target(%arg17 : memref<16384xf32, #tpu.memory_space<vmem>>) target_semaphore(%run_scoped3A : memref<!tpu.dma_semaphore, #tpu.memory_space<semaphore_mem>>)
      %dma_wait3A = tpu.memref_slice %arg7[%mul3A_37] : memref<65536xf32, #tpu.memory_space<hbm>> -> memref<16384xf32, #tpu.memory_space<hbm>>
      %dma_wait3A_81 = tpu.memref_slice %arg7[%mul3A_37] : memref<65536xf32, #tpu.memory_space<hbm>> -> memref<16384xf32, #tpu.memory_space<hbm>>
      tpu.wait_dma2 semaphore(%run_scoped3A : memref<!tpu.dma_semaphore, #tpu.memory_space<semaphore_mem>>) src(%dma_wait3A_81 : memref<16384xf32, #tpu.memory_space<hbm>>) dst(%arg17 : memref<16384xf32, #tpu.memory_space<vmem>>)
      tpu.yield
    }) : () -> ()
    %mul3A_38 = arith.constant 16384 : i32
    %mul3A_39 = arith.muli %select_n3A, %mul3A_38 : i32
    "tpu.region"() ({
      %run_scoped3A = tpu.sem_alloc : memref<!tpu.dma_semaphore, #tpu.memory_space<semaphore_mem>>
      %dma_start3A = tpu.memref_slice %arg8[%mul3A_39] : memref<65536xf32, #tpu.memory_space<hbm>> -> memref<16384xf32, #tpu.memory_space<hbm>>
      %dma_start3A_80 = tpu.memref_slice %arg8[%mul3A_39] : memref<65536xf32, #tpu.memory_space<hbm>> -> memref<16384xf32, #tpu.memory_space<hbm>>
      tpu.enqueue_dma source(%dma_start3A_80 : memref<16384xf32, #tpu.memory_space<hbm>>) target(%arg18 : memref<16384xf32, #tpu.memory_space<vmem>>) target_semaphore(%run_scoped3A : memref<!tpu.dma_semaphore, #tpu.memory_space<semaphore_mem>>)
      %dma_wait3A = tpu.memref_slice %arg8[%mul3A_39] : memref<65536xf32, #tpu.memory_space<hbm>> -> memref<16384xf32, #tpu.memory_space<hbm>>
      %dma_wait3A_81 = tpu.memref_slice %arg8[%mul3A_39] : memref<65536xf32, #tpu.memory_space<hbm>> -> memref<16384xf32, #tpu.memory_space<hbm>>
      tpu.wait_dma2 semaphore(%run_scoped3A : memref<!tpu.dma_semaphore, #tpu.memory_space<semaphore_mem>>) src(%dma_wait3A_81 : memref<16384xf32, #tpu.memory_space<hbm>>) dst(%arg18 : memref<16384xf32, #tpu.memory_space<vmem>>)
      tpu.yield
    }) : () -> ()
    %mul3A_40 = arith.constant 16384 : i32
    %mul3A_41 = arith.muli %select_n3A, %mul3A_40 : i32
    "tpu.region"() ({
      %run_scoped3A = tpu.sem_alloc : memref<!tpu.dma_semaphore, #tpu.memory_space<semaphore_mem>>
      %dma_start3A = tpu.memref_slice %arg9[%mul3A_41] : memref<65536xf32, #tpu.memory_space<hbm>> -> memref<16384xf32, #tpu.memory_space<hbm>>
      %dma_start3A_80 = tpu.memref_slice %arg9[%mul3A_41] : memref<65536xf32, #tpu.memory_space<hbm>> -> memref<16384xf32, #tpu.memory_space<hbm>>
      tpu.enqueue_dma source(%dma_start3A_80 : memref<16384xf32, #tpu.memory_space<hbm>>) target(%arg19 : memref<16384xf32, #tpu.memory_space<vmem>>) target_semaphore(%run_scoped3A : memref<!tpu.dma_semaphore, #tpu.memory_space<semaphore_mem>>)
      %dma_wait3A = tpu.memref_slice %arg9[%mul3A_41] : memref<65536xf32, #tpu.memory_space<hbm>> -> memref<16384xf32, #tpu.memory_space<hbm>>
      %dma_wait3A_81 = tpu.memref_slice %arg9[%mul3A_41] : memref<65536xf32, #tpu.memory_space<hbm>> -> memref<16384xf32, #tpu.memory_space<hbm>>
      tpu.wait_dma2 semaphore(%run_scoped3A : memref<!tpu.dma_semaphore, #tpu.memory_space<semaphore_mem>>) src(%dma_wait3A_81 : memref<16384xf32, #tpu.memory_space<hbm>>) dst(%arg19 : memref<16384xf32, #tpu.memory_space<vmem>>)
      tpu.yield
    }) : () -> ()
    "tpu.region"() ({
      %run_scoped3A = tpu.sem_alloc : memref<!tpu.dma_semaphore, #tpu.memory_space<semaphore_mem>>
      %dma_start3A = tpu.memref_slice %arg10[%add3A_35] : memref<2048xf32, #tpu.memory_space<hbm>> -> memref<64xf32, #tpu.memory_space<hbm>>
      %dma_start3A_80 = tpu.memref_slice %arg10[%add3A_35] : memref<2048xf32, #tpu.memory_space<hbm>> -> memref<64xf32, #tpu.memory_space<hbm>>
      tpu.enqueue_dma source(%dma_start3A_80 : memref<64xf32, #tpu.memory_space<hbm>>) target(%arg20 : memref<64xf32, #tpu.memory_space<vmem>>) target_semaphore(%run_scoped3A : memref<!tpu.dma_semaphore, #tpu.memory_space<semaphore_mem>>)
      %dma_wait3A = tpu.memref_slice %arg10[%add3A_35] : memref<2048xf32, #tpu.memory_space<hbm>> -> memref<64xf32, #tpu.memory_space<hbm>>
      %dma_wait3A_81 = tpu.memref_slice %arg10[%add3A_35] : memref<2048xf32, #tpu.memory_space<hbm>> -> memref<64xf32, #tpu.memory_space<hbm>>
      tpu.wait_dma2 semaphore(%run_scoped3A : memref<!tpu.dma_semaphore, #tpu.memory_space<semaphore_mem>>) src(%dma_wait3A_81 : memref<64xf32, #tpu.memory_space<hbm>>) dst(%arg20 : memref<64xf32, #tpu.memory_space<vmem>>)
      tpu.yield
    }) : () -> ()
    "tpu.region"() ({
      %run_scoped3A = tpu.sem_alloc : memref<!tpu.dma_semaphore, #tpu.memory_space<semaphore_mem>>
      %dma_start3A = tpu.memref_slice %arg11[%add3A_35] : memref<2048xf32, #tpu.memory_space<hbm>> -> memref<64xf32, #tpu.memory_space<hbm>>
      %dma_start3A_80 = tpu.memref_slice %arg11[%add3A_35] : memref<2048xf32, #tpu.memory_space<hbm>> -> memref<64xf32, #tpu.memory_space<hbm>>
      tpu.enqueue_dma source(%dma_start3A_80 : memref<64xf32, #tpu.memory_space<hbm>>) target(%arg21 : memref<64xf32, #tpu.memory_space<vmem>>) target_semaphore(%run_scoped3A : memref<!tpu.dma_semaphore, #tpu.memory_space<semaphore_mem>>)
      %dma_wait3A = tpu.memref_slice %arg11[%add3A_35] : memref<2048xf32, #tpu.memory_space<hbm>> -> memref<64xf32, #tpu.memory_space<hbm>>
      %dma_wait3A_81 = tpu.memref_slice %arg11[%add3A_35] : memref<2048xf32, #tpu.memory_space<hbm>> -> memref<64xf32, #tpu.memory_space<hbm>>
      tpu.wait_dma2 semaphore(%run_scoped3A : memref<!tpu.dma_semaphore, #tpu.memory_space<semaphore_mem>>) src(%dma_wait3A_81 : memref<64xf32, #tpu.memory_space<hbm>>) dst(%arg21 : memref<64xf32, #tpu.memory_space<vmem>>)
      tpu.yield
    }) : () -> ()
    "tpu.region"() ({
      %run_scoped3A = tpu.sem_alloc : memref<!tpu.dma_semaphore, #tpu.memory_space<semaphore_mem>>
      %dma_start3A = tpu.memref_slice %arg12[%add3A_35] : memref<2048xf32, #tpu.memory_space<hbm>> -> memref<64xf32, #tpu.memory_space<hbm>>
      %dma_start3A_80 = tpu.memref_slice %arg12[%add3A_35] : memref<2048xf32, #tpu.memory_space<hbm>> -> memref<64xf32, #tpu.memory_space<hbm>>
      tpu.enqueue_dma source(%dma_start3A_80 : memref<64xf32, #tpu.memory_space<hbm>>) target(%arg22 : memref<64xf32, #tpu.memory_space<vmem>>) target_semaphore(%run_scoped3A : memref<!tpu.dma_semaphore, #tpu.memory_space<semaphore_mem>>)
      %dma_wait3A = tpu.memref_slice %arg12[%add3A_35] : memref<2048xf32, #tpu.memory_space<hbm>> -> memref<64xf32, #tpu.memory_space<hbm>>
      %dma_wait3A_81 = tpu.memref_slice %arg12[%add3A_35] : memref<2048xf32, #tpu.memory_space<hbm>> -> memref<64xf32, #tpu.memory_space<hbm>>
      tpu.wait_dma2 semaphore(%run_scoped3A : memref<!tpu.dma_semaphore, #tpu.memory_space<semaphore_mem>>) src(%dma_wait3A_81 : memref<64xf32, #tpu.memory_space<hbm>>) dst(%arg22 : memref<64xf32, #tpu.memory_space<vmem>>)
      tpu.yield
    }) : () -> ()
    "tpu.region"() ({
      %run_scoped3A = tpu.sem_alloc : memref<!tpu.dma_semaphore, #tpu.memory_space<semaphore_mem>>
      %dma_start3A = tpu.memref_slice %arg4[%add3A_35] : memref<2048xf32, #tpu.memory_space<hbm>> -> memref<64xf32, #tpu.memory_space<hbm>>
      %dma_start3A_80 = tpu.memref_slice %arg4[%add3A_35] : memref<2048xf32, #tpu.memory_space<hbm>> -> memref<64xf32, #tpu.memory_space<hbm>>
      tpu.enqueue_dma source(%dma_start3A_80 : memref<64xf32, #tpu.memory_space<hbm>>) target(%arg23 : memref<64xf32, #tpu.memory_space<vmem>>) target_semaphore(%run_scoped3A : memref<!tpu.dma_semaphore, #tpu.memory_space<semaphore_mem>>)
      %dma_wait3A = tpu.memref_slice %arg4[%add3A_35] : memref<2048xf32, #tpu.memory_space<hbm>> -> memref<64xf32, #tpu.memory_space<hbm>>
      %dma_wait3A_81 = tpu.memref_slice %arg4[%add3A_35] : memref<2048xf32, #tpu.memory_space<hbm>> -> memref<64xf32, #tpu.memory_space<hbm>>
      tpu.wait_dma2 semaphore(%run_scoped3A : memref<!tpu.dma_semaphore, #tpu.memory_space<semaphore_mem>>) src(%dma_wait3A_81 : memref<64xf32, #tpu.memory_space<hbm>>) dst(%arg23 : memref<64xf32, #tpu.memory_space<vmem>>)
      tpu.yield
    }) : () -> ()
    "tpu.region"() ({
      %run_scoped3A = tpu.sem_alloc : memref<!tpu.dma_semaphore, #tpu.memory_space<semaphore_mem>>
      %dma_start3A = tpu.memref_slice %arg5[%add3A_35] : memref<2048xi32, #tpu.memory_space<hbm>> -> memref<64xi32, #tpu.memory_space<hbm>>
      %dma_start3A_80 = tpu.memref_slice %arg5[%add3A_35] : memref<2048xi32, #tpu.memory_space<hbm>> -> memref<64xi32, #tpu.memory_space<hbm>>
      tpu.enqueue_dma source(%dma_start3A_80 : memref<64xi32, #tpu.memory_space<hbm>>) target(%arg24 : memref<64xi32, #tpu.memory_space<vmem>>) target_semaphore(%run_scoped3A : memref<!tpu.dma_semaphore, #tpu.memory_space<semaphore_mem>>)
      %dma_wait3A = tpu.memref_slice %arg5[%add3A_35] : memref<2048xi32, #tpu.memory_space<hbm>> -> memref<64xi32, #tpu.memory_space<hbm>>
      %dma_wait3A_81 = tpu.memref_slice %arg5[%add3A_35] : memref<2048xi32, #tpu.memory_space<hbm>> -> memref<64xi32, #tpu.memory_space<hbm>>
      tpu.wait_dma2 semaphore(%run_scoped3A : memref<!tpu.dma_semaphore, #tpu.memory_space<semaphore_mem>>) src(%dma_wait3A_81 : memref<64xi32, #tpu.memory_space<hbm>>) dst(%arg24 : memref<64xi32, #tpu.memory_space<vmem>>)
      tpu.yield
    }) : () -> ()
    "tpu.region"() ({
      %run_scoped3A = tpu.sem_alloc : memref<!tpu.dma_semaphore, #tpu.memory_space<semaphore_mem>>
      %dma_start3A = tpu.memref_slice %arg6[%add3A_35] : memref<2048xi32, #tpu.memory_space<hbm>> -> memref<64xi32, #tpu.memory_space<hbm>>
      %dma_start3A_80 = tpu.memref_slice %arg6[%add3A_35] : memref<2048xi32, #tpu.memory_space<hbm>> -> memref<64xi32, #tpu.memory_space<hbm>>
      tpu.enqueue_dma source(%dma_start3A_80 : memref<64xi32, #tpu.memory_space<hbm>>) target(%arg25 : memref<64xi32, #tpu.memory_space<vmem>>) target_semaphore(%run_scoped3A : memref<!tpu.dma_semaphore, #tpu.memory_space<semaphore_mem>>)
      %dma_wait3A = tpu.memref_slice %arg6[%add3A_35] : memref<2048xi32, #tpu.memory_space<hbm>> -> memref<64xi32, #tpu.memory_space<hbm>>
      %dma_wait3A_81 = tpu.memref_slice %arg6[%add3A_35] : memref<2048xi32, #tpu.memory_space<hbm>> -> memref<64xi32, #tpu.memory_space<hbm>>
      tpu.wait_dma2 semaphore(%run_scoped3A : memref<!tpu.dma_semaphore, #tpu.memory_space<semaphore_mem>>) src(%dma_wait3A_81 : memref<64xi32, #tpu.memory_space<hbm>>) dst(%arg25 : memref<64xi32, #tpu.memory_space<vmem>>)
      tpu.yield
    }) : () -> ()
    %iota3A = tpu.iota {dimensions = array<i32: 0>} : vector<16xi32>
    %broadcast_in_dim3A = arith.constant 0.000000e+00 : f32
    %broadcast_in_dim3A_42 = vector.broadcast %broadcast_in_dim3A : f32 to vector<16xf32>
    %swap3A = arith.constant 0 : index
    %swap3A_43 = tpu.vector_load %arg31[%swap3A] {strides = array<i32>} : memref<256xf32, #tpu.memory_space<vmem>>, vector<16xf32>,
    tpu.vector_store %arg31[%swap3A], %broadcast_in_dim3A_42 {strides = array<i32>} : memref<256xf32, #tpu.memory_space<vmem>>, vector<16xf32>,
    %swap3A_44 = arith.constant 16 : index
    %swap3A_45 = tpu.vector_load %arg31[%swap3A_44] {strides = array<i32>} : memref<256xf32, #tpu.memory_space<vmem>>, vector<16xf32>,
    tpu.vector_store %arg31[%swap3A_44], %broadcast_in_dim3A_42 {strides = array<i32>} : memref<256xf32, #tpu.memory_space<vmem>>, vector<16xf32>,
    %swap3A_46 = arith.constant 32 : index
    %swap3A_47 = tpu.vector_load %arg31[%swap3A_46] {strides = array<i32>} : memref<256xf32, #tpu.memory_space<vmem>>, vector<16xf32>,
    tpu.vector_store %arg31[%swap3A_46], %broadcast_in_dim3A_42 {strides = array<i32>} : memref<256xf32, #tpu.memory_space<vmem>>, vector<16xf32>,
    %swap3A_48 = arith.constant 48 : index
    %swap3A_49 = tpu.vector_load %arg31[%swap3A_48] {strides = array<i32>} : memref<256xf32, #tpu.memory_space<vmem>>, vector<16xf32>,
    tpu.vector_store %arg31[%swap3A_48], %broadcast_in_dim3A_42 {strides = array<i32>} : memref<256xf32, #tpu.memory_space<vmem>>, vector<16xf32>,
    %swap3A_50 = arith.constant 64 : index
    %swap3A_51 = tpu.vector_load %arg31[%swap3A_50] {strides = array<i32>} : memref<256xf32, #tpu.memory_space<vmem>>, vector<16xf32>,
    tpu.vector_store %arg31[%swap3A_50], %broadcast_in_dim3A_42 {strides = array<i32>} : memref<256xf32, #tpu.memory_space<vmem>>, vector<16xf32>,
    %swap3A_52 = arith.constant 80 : index
    %swap3A_53 = tpu.vector_load %arg31[%swap3A_52] {strides = array<i32>} : memref<256xf32, #tpu.memory_space<vmem>>, vector<16xf32>,
    tpu.vector_store %arg31[%swap3A_52], %broadcast_in_dim3A_42 {strides = array<i32>} : memref<256xf32, #tpu.memory_space<vmem>>, vector<16xf32>,
    %swap3A_54 = arith.constant 96 : index
    %swap3A_55 = tpu.vector_load %arg31[%swap3A_54] {strides = array<i32>} : memref<256xf32, #tpu.memory_space<vmem>>, vector<16xf32>,
    tpu.vector_store %arg31[%swap3A_54], %broadcast_in_dim3A_42 {strides = array<i32>} : memref<256xf32, #tpu.memory_space<vmem>>, vector<16xf32>,
    %swap3A_56 = arith.constant 112 : index
    %swap3A_57 = tpu.vector_load %arg31[%swap3A_56] {strides = array<i32>} : memref<256xf32, #tpu.memory_space<vmem>>, vector<16xf32>,
    tpu.vector_store %arg31[%swap3A_56], %broadcast_in_dim3A_42 {strides = array<i32>} : memref<256xf32, #tpu.memory_space<vmem>>, vector<16xf32>,
    %swap3A_58 = arith.constant 128 : index
    %swap3A_59 = tpu.vector_load %arg31[%swap3A_58] {strides = array<i32>} : memref<256xf32, #tpu.memory_space<vmem>>, vector<16xf32>,
    tpu.vector_store %arg31[%swap3A_58], %broadcast_in_dim3A_42 {strides = array<i32>} : memref<256xf32, #tpu.memory_space<vmem>>, vector<16xf32>,
    %swap3A_60 = arith.constant 144 : index
    %swap3A_61 = tpu.vector_load %arg31[%swap3A_60] {strides = array<i32>} : memref<256xf32, #tpu.memory_space<vmem>>, vector<16xf32>,
    tpu.vector_store %arg31[%swap3A_60], %broadcast_in_dim3A_42 {strides = array<i32>} : memref<256xf32, #tpu.memory_space<vmem>>, vector<16xf32>,
    %swap3A_62 = arith.constant 160 : index
    %swap3A_63 = tpu.vector_load %arg31[%swap3A_62] {strides = array<i32>} : memref<256xf32, #tpu.memory_space<vmem>>, vector<16xf32>,
    tpu.vector_store %arg31[%swap3A_62], %broadcast_in_dim3A_42 {strides = array<i32>} : memref<256xf32, #tpu.memory_space<vmem>>, vector<16xf32>,
    %swap3A_64 = arith.constant 176 : index
    %swap3A_65 = tpu.vector_load %arg31[%swap3A_64] {strides = array<i32>} : memref<256xf32, #tpu.memory_space<vmem>>, vector<16xf32>,
    tpu.vector_store %arg31[%swap3A_64], %broadcast_in_dim3A_42 {strides = array<i32>} : memref<256xf32, #tpu.memory_space<vmem>>, vector<16xf32>,
    %swap3A_66 = arith.constant 192 : index
    %swap3A_67 = tpu.vector_load %arg31[%swap3A_66] {strides = array<i32>} : memref<256xf32, #tpu.memory_space<vmem>>, vector<16xf32>,
    tpu.vector_store %arg31[%swap3A_66], %broadcast_in_dim3A_42 {strides = array<i32>} : memref<256xf32, #tpu.memory_space<vmem>>, vector<16xf32>,
    %swap3A_68 = arith.constant 208 : index
    %swap3A_69 = tpu.vector_load %arg31[%swap3A_68] {strides = array<i32>} : memref<256xf32, #tpu.memory_space<vmem>>, vector<16xf32>,
    tpu.vector_store %arg31[%swap3A_68], %broadcast_in_dim3A_42 {strides = array<i32>} : memref<256xf32, #tpu.memory_space<vmem>>, vector<16xf32>,
    %swap3A_70 = arith.constant 224 : index
    %swap3A_71 = tpu.vector_load %arg31[%swap3A_70] {strides = array<i32>} : memref<256xf32, #tpu.memory_space<vmem>>, vector<16xf32>,
    tpu.vector_store %arg31[%swap3A_70], %broadcast_in_dim3A_42 {strides = array<i32>} : memref<256xf32, #tpu.memory_space<vmem>>, vector<16xf32>,
    %swap3A_72 = arith.constant 240 : index
    %swap3A_73 = tpu.vector_load %arg31[%swap3A_72] {strides = array<i32>} : memref<256xf32, #tpu.memory_space<vmem>>, vector<16xf32>,
    tpu.vector_store %arg31[%swap3A_72], %broadcast_in_dim3A_42 {strides = array<i32>} : memref<256xf32, #tpu.memory_space<vmem>>, vector<16xf32>,
    %scan3A = arith.constant 0 : i32
    %scan3A_74 = arith.constant 0 : i32
    %scan3A_75 = arith.constant 64 : i32
    %scan3A_76 = arith.addi %scan3A_74, %scan3A_75 : i32
    %scan3A_77 = arith.constant 1 : i32
    %scan3A_78 = scf.for %scan3A_80 = %scan3A_74 to %scan3A_76 step %scan3A_77 iter_args(%scan3A_81 = %scan3A) -> (i32)  : i32 {
      %add3A_82 = arith.addi %add3A_35, %scan3A_80 : i32
      %mul3A_83 = arith.constant 256 : i32
      %mul3A_84 = arith.muli %add3A_82, %mul3A_83 : i32
      "tpu.region"() ({
        %run_scoped3A = tpu.sem_alloc : memref<!tpu.dma_semaphore, #tpu.memory_space<semaphore_mem>>
        %dma_start3A_166 = tpu.memref_slice %arg2[%mul3A_84] : memref<524288xf32, #tpu.memory_space<hbm>> -> memref<256xf32, #tpu.memory_space<hbm>>
        %dma_start3A_167 = tpu.memref_slice %arg2[%mul3A_84] : memref<524288xf32, #tpu.memory_space<hbm>> -> memref<256xf32, #tpu.memory_space<hbm>>
        tpu.enqueue_dma source(%dma_start3A_167 : memref<256xf32, #tpu.memory_space<hbm>>) target(%arg26 : memref<256xf32, #tpu.memory_space<vmem>>) target_semaphore(%run_scoped3A : memref<!tpu.dma_semaphore, #tpu.memory_space<semaphore_mem>>)
        %dma_wait3A_168 = tpu.memref_slice %arg2[%mul3A_84] : memref<524288xf32, #tpu.memory_space<hbm>> -> memref<256xf32, #tpu.memory_space<hbm>>
        %dma_wait3A_169 = tpu.memref_slice %arg2[%mul3A_84] : memref<524288xf32, #tpu.memory_space<hbm>> -> memref<256xf32, #tpu.memory_space<hbm>>
        tpu.wait_dma2 semaphore(%run_scoped3A : memref<!tpu.dma_semaphore, #tpu.memory_space<semaphore_mem>>) src(%dma_wait3A_169 : memref<256xf32, #tpu.memory_space<hbm>>) dst(%arg26 : memref<256xf32, #tpu.memory_space<vmem>>)
        tpu.yield
      }) : () -> ()
      %mul3A_85 = arith.constant 256 : i32
      %mul3A_86 = arith.muli %add3A_82, %mul3A_85 : i32
      "tpu.region"() ({
        %run_scoped3A = tpu.sem_alloc : memref<!tpu.dma_semaphore, #tpu.memory_space<semaphore_mem>>
        %dma_start3A_166 = tpu.memref_slice %arg3[%mul3A_86] : memref<524288xi32, #tpu.memory_space<hbm>> -> memref<256xi32, #tpu.memory_space<hbm>>
        %dma_start3A_167 = tpu.memref_slice %arg3[%mul3A_86] : memref<524288xi32, #tpu.memory_space<hbm>> -> memref<256xi32, #tpu.memory_space<hbm>>
        tpu.enqueue_dma source(%dma_start3A_167 : memref<256xi32, #tpu.memory_space<hbm>>) target(%arg27 : memref<256xi32, #tpu.memory_space<vmem>>) target_semaphore(%run_scoped3A : memref<!tpu.dma_semaphore, #tpu.memory_space<semaphore_mem>>)
        %dma_wait3A_168 = tpu.memref_slice %arg3[%mul3A_86] : memref<524288xi32, #tpu.memory_space<hbm>> -> memref<256xi32, #tpu.memory_space<hbm>>
        %dma_wait3A_169 = tpu.memref_slice %arg3[%mul3A_86] : memref<524288xi32, #tpu.memory_space<hbm>> -> memref<256xi32, #tpu.memory_space<hbm>>
        tpu.wait_dma2 semaphore(%run_scoped3A : memref<!tpu.dma_semaphore, #tpu.memory_space<semaphore_mem>>) src(%dma_wait3A_169 : memref<256xi32, #tpu.memory_space<hbm>>) dst(%arg27 : memref<256xi32, #tpu.memory_space<vmem>>)
        tpu.yield
      }) : () -> ()
      %broadcast_in_dim3A_87 = vector.broadcast %scan3A_80 : i32 to vector<16xi32>
      %gather3A = tpu.vector_load_idx %arg23[%broadcast_in_dim3A_87] : memref<64xf32, #tpu.memory_space<vmem>>[vector<16xi32>], vector<16xf32>,
      %gather3A_88 = tpu.vector_load_idx %arg24[%broadcast_in_dim3A_87] : memref<64xi32, #tpu.memory_space<vmem>>[vector<16xi32>], vector<16xi32>,
      %gather3A_89 = tpu.vector_load_idx %arg20[%broadcast_in_dim3A_87] : memref<64xf32, #tpu.memory_space<vmem>>[vector<16xi32>], vector<16xf32>,
      %gather3A_90 = tpu.vector_load_idx %arg21[%broadcast_in_dim3A_87] : memref<64xf32, #tpu.memory_space<vmem>>[vector<16xi32>], vector<16xf32>,
      %gather3A_91 = tpu.vector_load_idx %arg22[%broadcast_in_dim3A_87] : memref<64xf32, #tpu.memory_space<vmem>>[vector<16xi32>], vector<16xf32>,
      %gather3A_92 = tpu.vector_load_idx %arg25[%broadcast_in_dim3A_87] : memref<64xi32, #tpu.memory_space<vmem>>[vector<16xi32>], vector<16xi32>,
      %broadcast_in_dim3A_93 = arith.constant 0 : i32
      %broadcast_in_dim3A_94 = vector.broadcast %broadcast_in_dim3A_93 : i32 to vector<16xi32>
      %scan3A_95 = arith.constant 0 : i32
      %scan3A_96 = arith.constant 16 : i32
      %scan3A_97 = arith.addi %scan3A_95, %scan3A_96 : i32
      %scan3A_98 = arith.constant 1 : i32
      %scan3A_99:2 = scf.for %scan3A_166 = %scan3A_95 to %scan3A_97 step %scan3A_98 iter_args(%scan3A_167 = %broadcast_in_dim3A_94, %scan3A_168 = %broadcast_in_dim3A_94) -> (vector<16xi32>, vector<16xi32>)  : i32 {
        %mul3A_169 = arith.constant 16 : i32
        %mul3A_170 = arith.muli %scan3A_166, %mul3A_169 : i32
        %get3A_171 = arith.index_cast %mul3A_170 : i32 to index
        %get3A_172 = tpu.vector_load %arg26[%get3A_171] {strides = array<i32>} : memref<256xf32, #tpu.memory_space<vmem>>, vector<16xf32>,
        %mul3A_173 = arith.constant 16 : i32
        %mul3A_174 = arith.muli %scan3A_166, %mul3A_173 : i32
        %get3A_175 = arith.index_cast %mul3A_174 : i32 to index
        %get3A_176 = tpu.vector_load %arg27[%get3A_175] {strides = array<i32>} : memref<256xi32, #tpu.memory_space<vmem>>, vector<16xi32>,
        %lt3A_177 = arith.cmpf olt, %get3A_172, %gather3A : vector<16xf32>
        %eq3A_178 = arith.cmpf oeq, %get3A_172, %gather3A : vector<16xf32>
        %convert_element_type3A = arith.extui %lt3A_177 : vector<16xi1> to vector<16xi32>
        %broadcast_in_dim3A_179 = arith.constant true
        %broadcast_in_dim3A_180 = vector.broadcast %broadcast_in_dim3A_179 : i1 to vector<16xi1>
        %masked_cumsum3A = tpu.scan <sum>, %convert_element_type3A masked %broadcast_in_dim3A_180 : vector<16xi32>, vector<16xi1> -> vector<16xi32>
        %convert_element_type3A_181 = arith.extui %eq3A_178 : vector<16xi1> to vector<16xi32>
        %broadcast_in_dim3A_182 = arith.constant true
        %broadcast_in_dim3A_183 = vector.broadcast %broadcast_in_dim3A_182 : i1 to vector<16xi1>
        %masked_cumsum3A_184 = tpu.scan <sum>, %convert_element_type3A_181 masked %broadcast_in_dim3A_183 : vector<16xi32>, vector<16xi1> -> vector<16xi32>
        %add3A_185 = arith.addi %scan3A_167, %masked_cumsum3A : vector<16xi32>
        %sub3A_186 = arith.constant 1 : i32
        %sub3A_187 = vector.broadcast %sub3A_186 : i32 to vector<16xi32>
        %sub3A_188 = arith.subi %add3A_185, %sub3A_187 : vector<16xi32>
        %add3A_189 = arith.addi %gather3A_88, %scan3A_168 : vector<16xi32>
        %add3A_190 = arith.addi %add3A_189, %masked_cumsum3A_184 : vector<16xi32>
        %sub3A_191 = arith.constant 1 : i32
        %sub3A_192 = vector.broadcast %sub3A_191 : i32 to vector<16xi32>
        %sub3A_193 = arith.subi %add3A_190, %sub3A_192 : vector<16xi32>
        %select_n3A_194 = arith.select %lt3A_177, %sub3A_188, %sub3A_193 : vector<16xi1>, vector<16xi32>
        %le3A = arith.constant 31 : i32
        %le3A_195 = vector.broadcast %le3A : i32 to vector<16xi32>
        %le3A_196 = arith.cmpi sle, %select_n3A_194, %le3A_195 : vector<16xi32>
        %and3A_197 = arith.andi %eq3A_178, %le3A_196 : vector<16xi1>
        %or3A = arith.ori %lt3A_177, %and3A_197 : vector<16xi1>
        %jit3A_198 = arith.constant 0 : i32
        %jit3A_199 = arith.constant 31 : i32
        %max3A = vector.broadcast %jit3A_198 : i32 to vector<16xi32>
        %max3A_200 = arith.maxsi %max3A, %select_n3A_194 : vector<16xi32>
        %min3A = vector.broadcast %jit3A_199 : i32 to vector<16xi32>
        %min3A_201 = arith.minsi %min3A, %max3A_200 : vector<16xi32>
        tpu.vector_store_idx %arg28[%min3A_201], %get3A_176 masked %or3A : memref<32xi32, #tpu.memory_space<vmem>>[vector<16xi32>], vector<16xi32>, vector<16xi1>
        %all_reduce_population_count3A = tpu.all_reduce %lt3A_177 {dim = 0 : i64, kind = #tpu.reduction_kind<sum>} : vector<16xi1> -> vector<16xi32>
        %add3A_202 = arith.addi %scan3A_167, %all_reduce_population_count3A : vector<16xi32>
        %all_reduce_population_count3A_203 = tpu.all_reduce %eq3A_178 {dim = 0 : i64, kind = #tpu.reduction_kind<sum>} : vector<16xi1> -> vector<16xi32>
        %add3A_204 = arith.addi %scan3A_168, %all_reduce_population_count3A_203 : vector<16xi32>
        scf.yield %add3A_202, %add3A_204 : vector<16xi32>, vector<16xi32>
      }
      %scan3A_100 = arith.constant 16 : i32
      %get3A = arith.constant 0 : index
      %get3A_101 = tpu.vector_load %arg28[%get3A] {strides = array<i32>} : memref<32xi32, #tpu.memory_space<vmem>>, vector<16xi32>,
      %gather3A_102 = tpu.vector_load_idx %arg17[%get3A_101] : memref<16384xf32, #tpu.memory_space<vmem>>[vector<16xi32>], vector<16xf32>,
      %sub3A_103 = arith.subf %gather3A_102, %gather3A_89 : vector<16xf32>
      %gather3A_104 = tpu.vector_load_idx %arg18[%get3A_101] : memref<16384xf32, #tpu.memory_space<vmem>>[vector<16xi32>], vector<16xf32>,
      %sub3A_105 = arith.subf %gather3A_104, %gather3A_90 : vector<16xf32>
      %gather3A_106 = tpu.vector_load_idx %arg19[%get3A_101] : memref<16384xf32, #tpu.memory_space<vmem>>[vector<16xi32>], vector<16xf32>,
      %sub3A_107 = arith.subf %gather3A_106, %gather3A_91 : vector<16xf32>
      %add3A_108 = arith.constant 0 : i32
      %add3A_109 = vector.broadcast %add3A_108 : i32 to vector<16xi32>
      %add3A_110 = arith.addi %iota3A, %add3A_109 : vector<16xi32>
      %mul3A_111 = arith.constant 8 : i32
      %mul3A_112 = vector.broadcast %mul3A_111 : i32 to vector<16xi32>
      %mul3A_113 = arith.muli %add3A_110, %mul3A_112 : vector<16xi32>
      tpu.vector_store_idx %arg31[%mul3A_113], %sub3A_103 : memref<256xf32, #tpu.memory_space<vmem>>[vector<16xi32>], vector<16xf32>,
      %add3A_114 = arith.constant 1 : i32
      %add3A_115 = vector.broadcast %add3A_114 : i32 to vector<16xi32>
      %add3A_116 = arith.addi %mul3A_113, %add3A_115 : vector<16xi32>
      tpu.vector_store_idx %arg31[%add3A_116], %sub3A_105 : memref<256xf32, #tpu.memory_space<vmem>>[vector<16xi32>], vector<16xf32>,
      %add3A_117 = arith.constant 2 : i32
      %add3A_118 = vector.broadcast %add3A_117 : i32 to vector<16xi32>
      %add3A_119 = arith.addi %mul3A_113, %add3A_118 : vector<16xi32>
      tpu.vector_store_idx %arg31[%add3A_119], %sub3A_107 : memref<256xf32, #tpu.memory_space<vmem>>[vector<16xi32>], vector<16xf32>,
      %mul3A_120 = arith.constant 16384 : i32
      %mul3A_121 = arith.muli %select_n3A, %mul3A_120 : i32
      %add3A_122 = vector.broadcast %mul3A_121 : i32 to vector<16xi32>
      %add3A_123 = arith.addi %get3A_101, %add3A_122 : vector<16xi32>
      %swap3A_124 = arith.constant 0 : index
      %swap3A_125 = tpu.vector_load %arg29[%swap3A_124] {strides = array<i32>} : memref<33xi32, #tpu.memory_space<vmem>>, vector<16xi32>,
      tpu.vector_store %arg29[%swap3A_124], %add3A_123 {strides = array<i32>} : memref<33xi32, #tpu.memory_space<vmem>>, vector<16xi32>,
      %get3A_126 = arith.constant 16 : index
      %get3A_127 = tpu.vector_load %arg28[%get3A_126] {strides = array<i32>} : memref<32xi32, #tpu.memory_space<vmem>>, vector<16xi32>,
      %gather3A_128 = tpu.vector_load_idx %arg17[%get3A_127] : memref<16384xf32, #tpu.memory_space<vmem>>[vector<16xi32>], vector<16xf32>,
      %sub3A_129 = arith.subf %gather3A_128, %gather3A_89 : vector<16xf32>
      %gather3A_130 = tpu.vector_load_idx %arg18[%get3A_127] : memref<16384xf32, #tpu.memory_space<vmem>>[vector<16xi32>], vector<16xf32>,
      %sub3A_131 = arith.subf %gather3A_130, %gather3A_90 : vector<16xf32>
      %gather3A_132 = tpu.vector_load_idx %arg19[%get3A_127] : memref<16384xf32, #tpu.memory_space<vmem>>[vector<16xi32>], vector<16xf32>,
      %sub3A_133 = arith.subf %gather3A_132, %gather3A_91 : vector<16xf32>
      %add3A_134 = arith.constant 16 : i32
      %add3A_135 = vector.broadcast %add3A_134 : i32 to vector<16xi32>
      %add3A_136 = arith.addi %iota3A, %add3A_135 : vector<16xi32>
      %mul3A_137 = arith.constant 8 : i32
      %mul3A_138 = vector.broadcast %mul3A_137 : i32 to vector<16xi32>
      %mul3A_139 = arith.muli %add3A_136, %mul3A_138 : vector<16xi32>
      tpu.vector_store_idx %arg31[%mul3A_139], %sub3A_129 : memref<256xf32, #tpu.memory_space<vmem>>[vector<16xi32>], vector<16xf32>,
      %add3A_140 = arith.constant 1 : i32
      %add3A_141 = vector.broadcast %add3A_140 : i32 to vector<16xi32>
      %add3A_142 = arith.addi %mul3A_139, %add3A_141 : vector<16xi32>
      tpu.vector_store_idx %arg31[%add3A_142], %sub3A_131 : memref<256xf32, #tpu.memory_space<vmem>>[vector<16xi32>], vector<16xf32>,
      %add3A_143 = arith.constant 2 : i32
      %add3A_144 = vector.broadcast %add3A_143 : i32 to vector<16xi32>
      %add3A_145 = arith.addi %mul3A_139, %add3A_144 : vector<16xi32>
      tpu.vector_store_idx %arg31[%add3A_145], %sub3A_133 : memref<256xf32, #tpu.memory_space<vmem>>[vector<16xi32>], vector<16xf32>,
      %mul3A_146 = arith.constant 16384 : i32
      %mul3A_147 = arith.muli %select_n3A, %mul3A_146 : i32
      %add3A_148 = vector.broadcast %mul3A_147 : i32 to vector<16xi32>
      %add3A_149 = arith.addi %get3A_127, %add3A_148 : vector<16xi32>
      %swap3A_150 = arith.constant 16 : index
      %swap3A_151 = tpu.vector_load %arg29[%swap3A_150] {strides = array<i32>} : memref<33xi32, #tpu.memory_space<vmem>>, vector<16xi32>,
      tpu.vector_store %arg29[%swap3A_150], %add3A_149 {strides = array<i32>} : memref<33xi32, #tpu.memory_space<vmem>>, vector<16xi32>,
      %eq3A_152 = arith.constant 0 : i32
      %eq3A_153 = vector.broadcast %eq3A_152 : i32 to vector<16xi32>
      %eq3A_154 = arith.cmpi eq, %iota3A, %eq3A_153 : vector<16xi32>
      %broadcast_in_dim3A_155 = arith.constant 32 : i32
      %broadcast_in_dim3A_156 = vector.broadcast %broadcast_in_dim3A_155 : i32 to vector<16xi32>
      tpu.vector_store_idx %arg29[%broadcast_in_dim3A_156], %gather3A_92 masked %eq3A_154 : memref<33xi32, #tpu.memory_space<vmem>>[vector<16xi32>], vector<16xi32>, vector<16xi1>
      %dma_start3A = arith.constant 0 : i32
      %dma_start3A_157 = arith.constant 0 : i32
      %dma_start3A_158 = tpu.memref_slice %arg13[%dma_start3A, %dma_start3A_157] : memref<65536x128xf32, #tpu.memory_space<hbm>> -> memref<65536x128xf32, #tpu.memory_space<hbm>>
      tpu.enqueue_indirect_dma source(%dma_start3A_158 : memref<65536x128xf32, #tpu.memory_space<hbm>>) target(%arg30 : memref<33x128xf32, #tpu.memory_space<vmem>>) offsets(%arg29 : memref<33xi32, #tpu.memory_space<vmem>>) semaphore(%arg32 : memref<!tpu.dma_semaphore, #tpu.memory_space<semaphore_mem>>)
      %dma_wait3A = arith.constant 0 : i32
      %dma_wait3A_159 = arith.constant 0 : i32
      %dma_wait3A_160 = tpu.memref_slice %arg13[%dma_wait3A, %dma_wait3A_159] : memref<65536x128xf32, #tpu.memory_space<hbm>> -> memref<65536x128xf32, #tpu.memory_space<hbm>>
      tpu.wait_indirect_dma semaphore(%arg32 : memref<!tpu.dma_semaphore, #tpu.memory_space<semaphore_mem>>) src(%dma_wait3A_160 : memref<65536x128xf32, #tpu.memory_space<hbm>>) dst(%arg30 : memref<33x128xf32, #tpu.memory_space<vmem>>)
      "tpu.region"() ({
        %run_scoped3A = tpu.sem_alloc : memref<!tpu.dma_semaphore, #tpu.memory_space<semaphore_mem>>
        %dma_start3A_166 = arith.constant 0 : i32
        %dma_start3A_167 = arith.constant 0 : i32
        %dma_start3A_168 = tpu.memref_slice %arg30[%dma_start3A_166, %dma_start3A_167] : memref<33x128xf32, #tpu.memory_space<vmem>> -> memref<32x128xf32, #tpu.memory_space<vmem>>
        %dma_start3A_169 = arith.constant 0 : i32
        %dma_start3A_170 = arith.constant 0 : i32
        %dma_start3A_171 = tpu.memref_slice %arg14[%add3A_82, %dma_start3A_169, %dma_start3A_170] : memref<2048x32x128xf32, #tpu.memory_space<hbm>> -> memref<1x32x128xf32, #tpu.memory_space<hbm>>
        %dma_start3A_172 = tpu.memref_squeeze %dma_start3A_171 : memref<1x32x128xf32, #tpu.memory_space<hbm>> -> memref<32x128xf32, #tpu.memory_space<hbm>>
        %dma_start3A_173 = arith.constant 0 : i32
        %dma_start3A_174 = arith.constant 0 : i32
        %dma_start3A_175 = tpu.memref_slice %arg14[%add3A_82, %dma_start3A_173, %dma_start3A_174] : memref<2048x32x128xf32, #tpu.memory_space<hbm>> -> memref<1x32x128xf32, #tpu.memory_space<hbm>>
        %dma_start3A_176 = tpu.memref_squeeze %dma_start3A_175 : memref<1x32x128xf32, #tpu.memory_space<hbm>> -> memref<32x128xf32, #tpu.memory_space<hbm>>
        %dma_start3A_177 = arith.constant 0 : i32
        %dma_start3A_178 = arith.constant 0 : i32
        %dma_start3A_179 = tpu.memref_slice %arg30[%dma_start3A_177, %dma_start3A_178] : memref<33x128xf32, #tpu.memory_space<vmem>> -> memref<32x128xf32, #tpu.memory_space<vmem>>
        tpu.enqueue_dma source(%dma_start3A_179 : memref<32x128xf32, #tpu.memory_space<vmem>>) target(%dma_start3A_176 : memref<32x128xf32, #tpu.memory_space<hbm>>) target_semaphore(%run_scoped3A : memref<!tpu.dma_semaphore, #tpu.memory_space<semaphore_mem>>)
        %dma_wait3A_180 = arith.constant 0 : i32
        %dma_wait3A_181 = arith.constant 0 : i32
        %dma_wait3A_182 = tpu.memref_slice %arg30[%dma_wait3A_180, %dma_wait3A_181] : memref<33x128xf32, #tpu.memory_space<vmem>> -> memref<32x128xf32, #tpu.memory_space<vmem>>
        %dma_wait3A_183 = arith.constant 0 : i32
        %dma_wait3A_184 = arith.constant 0 : i32
        %dma_wait3A_185 = tpu.memref_slice %arg14[%add3A_82, %dma_wait3A_183, %dma_wait3A_184] : memref<2048x32x128xf32, #tpu.memory_space<hbm>> -> memref<1x32x128xf32, #tpu.memory_space<hbm>>
        %dma_wait3A_186 = tpu.memref_squeeze %dma_wait3A_185 : memref<1x32x128xf32, #tpu.memory_space<hbm>> -> memref<32x128xf32, #tpu.memory_space<hbm>>
        %dma_wait3A_187 = arith.constant 0 : i32
        %dma_wait3A_188 = arith.constant 0 : i32
        %dma_wait3A_189 = tpu.memref_slice %arg14[%add3A_82, %dma_wait3A_187, %dma_wait3A_188] : memref<2048x32x128xf32, #tpu.memory_space<hbm>> -> memref<1x32x128xf32, #tpu.memory_space<hbm>>
        %dma_wait3A_190 = tpu.memref_squeeze %dma_wait3A_189 : memref<1x32x128xf32, #tpu.memory_space<hbm>> -> memref<32x128xf32, #tpu.memory_space<hbm>>
        %dma_wait3A_191 = arith.constant 0 : i32
        %dma_wait3A_192 = arith.constant 0 : i32
        %dma_wait3A_193 = tpu.memref_slice %arg30[%dma_wait3A_191, %dma_wait3A_192] : memref<33x128xf32, #tpu.memory_space<vmem>> -> memref<32x128xf32, #tpu.memory_space<vmem>>
        tpu.wait_dma2 semaphore(%run_scoped3A : memref<!tpu.dma_semaphore, #tpu.memory_space<semaphore_mem>>) src(%dma_wait3A_193 : memref<32x128xf32, #tpu.memory_space<vmem>>) dst(%dma_wait3A_190 : memref<32x128xf32, #tpu.memory_space<hbm>>)
        tpu.yield
      }) : () -> ()
      "tpu.region"() ({
        %run_scoped3A = tpu.sem_alloc : memref<!tpu.dma_semaphore, #tpu.memory_space<semaphore_mem>>
        %dma_start3A_166 = arith.constant 32 : i32
        %dma_start3A_167 = arith.constant 0 : i32
        %dma_start3A_168 = tpu.memref_slice %arg30[%dma_start3A_166, %dma_start3A_167] : memref<33x128xf32, #tpu.memory_space<vmem>> -> memref<1x128xf32, #tpu.memory_space<vmem>>
        %dma_start3A_169 = arith.constant 0 : i32
        %dma_start3A_170 = arith.constant 0 : i32
        %dma_start3A_171 = tpu.memref_slice %arg15[%add3A_82, %dma_start3A_169, %dma_start3A_170] : memref<2048x1x128xf32, #tpu.memory_space<hbm>> -> memref<1x1x128xf32, #tpu.memory_space<hbm>>
        %dma_start3A_172 = tpu.memref_squeeze %dma_start3A_171 : memref<1x1x128xf32, #tpu.memory_space<hbm>> -> memref<1x128xf32, #tpu.memory_space<hbm>>
        %dma_start3A_173 = arith.constant 0 : i32
        %dma_start3A_174 = arith.constant 0 : i32
        %dma_start3A_175 = tpu.memref_slice %arg15[%add3A_82, %dma_start3A_173, %dma_start3A_174] : memref<2048x1x128xf32, #tpu.memory_space<hbm>> -> memref<1x1x128xf32, #tpu.memory_space<hbm>>
        %dma_start3A_176 = tpu.memref_squeeze %dma_start3A_175 : memref<1x1x128xf32, #tpu.memory_space<hbm>> -> memref<1x128xf32, #tpu.memory_space<hbm>>
        %dma_start3A_177 = arith.constant 32 : i32
        %dma_start3A_178 = arith.constant 0 : i32
        %dma_start3A_179 = tpu.memref_slice %arg30[%dma_start3A_177, %dma_start3A_178] : memref<33x128xf32, #tpu.memory_space<vmem>> -> memref<1x128xf32, #tpu.memory_space<vmem>>
        tpu.enqueue_dma source(%dma_start3A_179 : memref<1x128xf32, #tpu.memory_space<vmem>>) target(%dma_start3A_176 : memref<1x128xf32, #tpu.memory_space<hbm>>) target_semaphore(%run_scoped3A : memref<!tpu.dma_semaphore, #tpu.memory_space<semaphore_mem>>)
        %dma_wait3A_180 = arith.constant 32 : i32
        %dma_wait3A_181 = arith.constant 0 : i32
        %dma_wait3A_182 = tpu.memref_slice %arg30[%dma_wait3A_180, %dma_wait3A_181] : memref<33x128xf32, #tpu.memory_space<vmem>> -> memref<1x128xf32, #tpu.memory_space<vmem>>
        %dma_wait3A_183 = arith.constant 0 : i32
        %dma_wait3A_184 = arith.constant 0 : i32
        %dma_wait3A_185 = tpu.memref_slice %arg15[%add3A_82, %dma_wait3A_183, %dma_wait3A_184] : memref<2048x1x128xf32, #tpu.memory_space<hbm>> -> memref<1x1x128xf32, #tpu.memory_space<hbm>>
        %dma_wait3A_186 = tpu.memref_squeeze %dma_wait3A_185 : memref<1x1x128xf32, #tpu.memory_space<hbm>> -> memref<1x128xf32, #tpu.memory_space<hbm>>
        %dma_wait3A_187 = arith.constant 0 : i32
        %dma_wait3A_188 = arith.constant 0 : i32
        %dma_wait3A_189 = tpu.memref_slice %arg15[%add3A_82, %dma_wait3A_187, %dma_wait3A_188] : memref<2048x1x128xf32, #tpu.memory_space<hbm>> -> memref<1x1x128xf32, #tpu.memory_space<hbm>>
        %dma_wait3A_190 = tpu.memref_squeeze %dma_wait3A_189 : memref<1x1x128xf32, #tpu.memory_space<hbm>> -> memref<1x128xf32, #tpu.memory_space<hbm>>
        %dma_wait3A_191 = arith.constant 32 : i32
        %dma_wait3A_192 = arith.constant 0 : i32
        %dma_wait3A_193 = tpu.memref_slice %arg30[%dma_wait3A_191, %dma_wait3A_192] : memref<33x128xf32, #tpu.memory_space<vmem>> -> memref<1x128xf32, #tpu.memory_space<vmem>>
        tpu.wait_dma2 semaphore(%run_scoped3A : memref<!tpu.dma_semaphore, #tpu.memory_space<semaphore_mem>>) src(%dma_wait3A_193 : memref<1x128xf32, #tpu.memory_space<vmem>>) dst(%dma_wait3A_190 : memref<1x128xf32, #tpu.memory_space<hbm>>)
        tpu.yield
      }) : () -> ()
      %mul3A_161 = arith.constant 32 : i32
      %mul3A_162 = arith.muli %add3A_82, %mul3A_161 : i32
      %mul3A_163 = arith.constant 8 : i32
      %mul3A_164 = arith.muli %mul3A_162, %mul3A_163 : i32
      "tpu.region"() ({
        %run_scoped3A = tpu.sem_alloc : memref<!tpu.dma_semaphore, #tpu.memory_space<semaphore_mem>>
        %dma_start3A_166 = tpu.memref_slice %arg16[%mul3A_164] : memref<524288xf32, #tpu.memory_space<hbm>> -> memref<256xf32, #tpu.memory_space<hbm>>
        %dma_start3A_167 = tpu.memref_slice %arg16[%mul3A_164] : memref<524288xf32, #tpu.memory_space<hbm>> -> memref<256xf32, #tpu.memory_space<hbm>>
        tpu.enqueue_dma source(%arg31 : memref<256xf32, #tpu.memory_space<vmem>>) target(%dma_start3A_167 : memref<256xf32, #tpu.memory_space<hbm>>) target_semaphore(%run_scoped3A : memref<!tpu.dma_semaphore, #tpu.memory_space<semaphore_mem>>)
        %dma_wait3A_168 = tpu.memref_slice %arg16[%mul3A_164] : memref<524288xf32, #tpu.memory_space<hbm>> -> memref<256xf32, #tpu.memory_space<hbm>>
        %dma_wait3A_169 = tpu.memref_slice %arg16[%mul3A_164] : memref<524288xf32, #tpu.memory_space<hbm>> -> memref<256xf32, #tpu.memory_space<hbm>>
        tpu.wait_dma2 semaphore(%run_scoped3A : memref<!tpu.dma_semaphore, #tpu.memory_space<semaphore_mem>>) src(%arg31 : memref<256xf32, #tpu.memory_space<vmem>>) dst(%dma_wait3A_169 : memref<256xf32, #tpu.memory_space<hbm>>)
        tpu.yield
      }) : () -> ()
      %scan3A_165 = arith.constant 0 : i32
      scf.yield %scan3A_165 : i32
    }
    %scan3A_79 = arith.constant 64 : i32
    return
  }
}

#map = affine_map<(d0, d1) -> (0)>
module attributes {stable_mosaic.version = 14 : i64} {
  func.func @_compact_body(%arg0: i32, %arg1: i32, %arg2: memref<65536xf32, #tpu.memory_space<hbm>>, %arg3: memref<65536xf32, #tpu.memory_space<hbm>>, %arg4: memref<65536xf32, #tpu.memory_space<hbm>>, %arg5: memref<65536xf32, #tpu.memory_space<hbm>>, %arg6: memref<2048xf32, #tpu.memory_space<hbm>>, %arg7: memref<2048xf32, #tpu.memory_space<hbm>>, %arg8: memref<2048xf32, #tpu.memory_space<hbm>>, %arg9: memref<2048xf32, #tpu.memory_space<hbm>>, %arg10: memref<2048xf32, #tpu.memory_space<hbm>>, %arg11: memref<524288xf32, #tpu.memory_space<hbm>>, %arg12: memref<524288xi32, #tpu.memory_space<hbm>>, %arg13: memref<16384xf32, #tpu.memory_space<vmem>>, %arg14: memref<16384xf32, #tpu.memory_space<vmem>>, %arg15: memref<16384xf32, #tpu.memory_space<vmem>>, %arg16: memref<16384xf32, #tpu.memory_space<vmem>>, %arg17: memref<64xf32, #tpu.memory_space<vmem>>, %arg18: memref<64xf32, #tpu.memory_space<vmem>>, %arg19: memref<64xf32, #tpu.memory_space<vmem>>, %arg20: memref<64xf32, #tpu.memory_space<vmem>>, %arg21: memref<64xf32, #tpu.memory_space<vmem>>, %arg22: memref<256xf32, #tpu.memory_space<vmem>>, %arg23: memref<256xi32, #tpu.memory_space<vmem>>) attributes {dimension_semantics = [#tpu.dimension_semantics<core_parallel>, #tpu.dimension_semantics<subcore_parallel>], iteration_bounds = array<i64: 2, 16>, scalar_prefetch = 0 : i64, scratch_operands = 11 : i64, tpu.core_type = #tpu.core_type<sc_vector_subcore>, window_params = [{transform_indices = #map}, {transform_indices = #map}, {transform_indices = #map}, {transform_indices = #map}, {transform_indices = #map}, {transform_indices = #map}, {transform_indices = #map}, {transform_indices = #map}, {transform_indices = #map}, {transform_indices = #map}, {transform_indices = #map}]} {
    %mul3A = arith.constant 16 : i32
    %mul3A_0 = arith.muli %arg0, %mul3A : i32
    %add3A = arith.addi %mul3A_0, %arg1 : i32
    %jit3A = arith.constant 8 : i32
    %div3A = arith.divsi %add3A, %jit3A : i32
    %sign3A = arith.constant 0 : i32
    %sign3A_1 = arith.cmpi sgt, %add3A, %sign3A : i32
    %sign3A_2 = arith.extui %sign3A_1 : i1 to i32
    %sign3A_3 = arith.constant 0 : i32
    %sign3A_4 = arith.cmpi slt, %add3A, %sign3A_3 : i32
    %sign3A_5 = arith.extui %sign3A_4 : i1 to i32
    %sign3A_6 = arith.subi %sign3A_2, %sign3A_5 : i32
    %sign3A_7 = arith.constant 0 : i32
    %sign3A_8 = arith.cmpi sgt, %jit3A, %sign3A_7 : i32
    %sign3A_9 = arith.extui %sign3A_8 : i1 to i32
    %sign3A_10 = arith.constant 0 : i32
    %sign3A_11 = arith.cmpi slt, %jit3A, %sign3A_10 : i32
    %sign3A_12 = arith.extui %sign3A_11 : i1 to i32
    %sign3A_13 = arith.subi %sign3A_9, %sign3A_12 : i32
    %ne3A = arith.cmpi ne, %sign3A_6, %sign3A_13 : i32
    %rem3A = arith.remsi %add3A, %jit3A : i32
    %ne3A_14 = arith.constant 0 : i32
    %ne3A_15 = arith.cmpi ne, %rem3A, %ne3A_14 : i32
    %and3A = arith.andi %ne3A, %ne3A_15 : i1
    %sub3A = arith.constant 1 : i32
    %sub3A_16 = arith.subi %div3A, %sub3A : i32
    %select_n3A = arith.select %and3A, %sub3A_16, %div3A : i32
    %jit3A_17 = arith.constant 8 : i32
    %eq3A = arith.constant 0 : i32
    %eq3A_18 = arith.cmpi eq, %jit3A_17, %eq3A : i32
    %jit3A_19 = arith.constant 1 : i32
    %select_n3A_20 = arith.select %eq3A_18, %jit3A_19, %jit3A_17 : i32
    %rem3A_21 = arith.remsi %add3A, %select_n3A_20 : i32
    %ne3A_22 = arith.constant 0 : i32
    %ne3A_23 = arith.cmpi ne, %rem3A_21, %ne3A_22 : i32
    %lt3A = arith.constant 0 : i32
    %lt3A_24 = arith.cmpi slt, %rem3A_21, %lt3A : i32
    %lt3A_25 = arith.constant 0 : i32
    %lt3A_26 = arith.cmpi slt, %select_n3A_20, %lt3A_25 : i32
    %ne3A_27 = arith.xori %lt3A_24, %lt3A_26 : i1
    %and3A_28 = arith.andi %ne3A_27, %ne3A_23 : i1
    %add3A_29 = arith.addi %rem3A_21, %select_n3A_20 : i32
    %select_n3A_30 = arith.select %and3A_28, %add3A_29, %rem3A_21 : i32
    %mul3A_31 = arith.constant 64 : i32
    %mul3A_32 = arith.muli %select_n3A_30, %mul3A_31 : i32
    %mul3A_33 = arith.constant 512 : i32
    %mul3A_34 = arith.muli %select_n3A, %mul3A_33 : i32
    %add3A_35 = arith.addi %mul3A_34, %mul3A_32 : i32
    %mul3A_36 = arith.constant 16384 : i32
    %mul3A_37 = arith.muli %select_n3A, %mul3A_36 : i32
    "tpu.region"() ({
      %run_scoped3A = tpu.sem_alloc : memref<!tpu.dma_semaphore, #tpu.memory_space<semaphore_mem>>
      %dma_start3A = tpu.memref_slice %arg2[%mul3A_37] : memref<65536xf32, #tpu.memory_space<hbm>> -> memref<16384xf32, #tpu.memory_space<hbm>>
      %dma_start3A_53 = tpu.memref_slice %arg2[%mul3A_37] : memref<65536xf32, #tpu.memory_space<hbm>> -> memref<16384xf32, #tpu.memory_space<hbm>>
      tpu.enqueue_dma source(%dma_start3A_53 : memref<16384xf32, #tpu.memory_space<hbm>>) target(%arg13 : memref<16384xf32, #tpu.memory_space<vmem>>) target_semaphore(%run_scoped3A : memref<!tpu.dma_semaphore, #tpu.memory_space<semaphore_mem>>)
      %dma_wait3A = tpu.memref_slice %arg2[%mul3A_37] : memref<65536xf32, #tpu.memory_space<hbm>> -> memref<16384xf32, #tpu.memory_space<hbm>>
      %dma_wait3A_54 = tpu.memref_slice %arg2[%mul3A_37] : memref<65536xf32, #tpu.memory_space<hbm>> -> memref<16384xf32, #tpu.memory_space<hbm>>
      tpu.wait_dma2 semaphore(%run_scoped3A : memref<!tpu.dma_semaphore, #tpu.memory_space<semaphore_mem>>) src(%dma_wait3A_54 : memref<16384xf32, #tpu.memory_space<hbm>>) dst(%arg13 : memref<16384xf32, #tpu.memory_space<vmem>>)
      tpu.yield
    }) : () -> ()
    %mul3A_38 = arith.constant 16384 : i32
    %mul3A_39 = arith.muli %select_n3A, %mul3A_38 : i32
    "tpu.region"() ({
      %run_scoped3A = tpu.sem_alloc : memref<!tpu.dma_semaphore, #tpu.memory_space<semaphore_mem>>
      %dma_start3A = tpu.memref_slice %arg3[%mul3A_39] : memref<65536xf32, #tpu.memory_space<hbm>> -> memref<16384xf32, #tpu.memory_space<hbm>>
      %dma_start3A_53 = tpu.memref_slice %arg3[%mul3A_39] : memref<65536xf32, #tpu.memory_space<hbm>> -> memref<16384xf32, #tpu.memory_space<hbm>>
      tpu.enqueue_dma source(%dma_start3A_53 : memref<16384xf32, #tpu.memory_space<hbm>>) target(%arg14 : memref<16384xf32, #tpu.memory_space<vmem>>) target_semaphore(%run_scoped3A : memref<!tpu.dma_semaphore, #tpu.memory_space<semaphore_mem>>)
      %dma_wait3A = tpu.memref_slice %arg3[%mul3A_39] : memref<65536xf32, #tpu.memory_space<hbm>> -> memref<16384xf32, #tpu.memory_space<hbm>>
      %dma_wait3A_54 = tpu.memref_slice %arg3[%mul3A_39] : memref<65536xf32, #tpu.memory_space<hbm>> -> memref<16384xf32, #tpu.memory_space<hbm>>
      tpu.wait_dma2 semaphore(%run_scoped3A : memref<!tpu.dma_semaphore, #tpu.memory_space<semaphore_mem>>) src(%dma_wait3A_54 : memref<16384xf32, #tpu.memory_space<hbm>>) dst(%arg14 : memref<16384xf32, #tpu.memory_space<vmem>>)
      tpu.yield
    }) : () -> ()
    %mul3A_40 = arith.constant 16384 : i32
    %mul3A_41 = arith.muli %select_n3A, %mul3A_40 : i32
    "tpu.region"() ({
      %run_scoped3A = tpu.sem_alloc : memref<!tpu.dma_semaphore, #tpu.memory_space<semaphore_mem>>
      %dma_start3A = tpu.memref_slice %arg4[%mul3A_41] : memref<65536xf32, #tpu.memory_space<hbm>> -> memref<16384xf32, #tpu.memory_space<hbm>>
      %dma_start3A_53 = tpu.memref_slice %arg4[%mul3A_41] : memref<65536xf32, #tpu.memory_space<hbm>> -> memref<16384xf32, #tpu.memory_space<hbm>>
      tpu.enqueue_dma source(%dma_start3A_53 : memref<16384xf32, #tpu.memory_space<hbm>>) target(%arg15 : memref<16384xf32, #tpu.memory_space<vmem>>) target_semaphore(%run_scoped3A : memref<!tpu.dma_semaphore, #tpu.memory_space<semaphore_mem>>)
      %dma_wait3A = tpu.memref_slice %arg4[%mul3A_41] : memref<65536xf32, #tpu.memory_space<hbm>> -> memref<16384xf32, #tpu.memory_space<hbm>>
      %dma_wait3A_54 = tpu.memref_slice %arg4[%mul3A_41] : memref<65536xf32, #tpu.memory_space<hbm>> -> memref<16384xf32, #tpu.memory_space<hbm>>
      tpu.wait_dma2 semaphore(%run_scoped3A : memref<!tpu.dma_semaphore, #tpu.memory_space<semaphore_mem>>) src(%dma_wait3A_54 : memref<16384xf32, #tpu.memory_space<hbm>>) dst(%arg15 : memref<16384xf32, #tpu.memory_space<vmem>>)
      tpu.yield
    }) : () -> ()
    %mul3A_42 = arith.constant 16384 : i32
    %mul3A_43 = arith.muli %select_n3A, %mul3A_42 : i32
    "tpu.region"() ({
      %run_scoped3A = tpu.sem_alloc : memref<!tpu.dma_semaphore, #tpu.memory_space<semaphore_mem>>
      %dma_start3A = tpu.memref_slice %arg5[%mul3A_43] : memref<65536xf32, #tpu.memory_space<hbm>> -> memref<16384xf32, #tpu.memory_space<hbm>>
      %dma_start3A_53 = tpu.memref_slice %arg5[%mul3A_43] : memref<65536xf32, #tpu.memory_space<hbm>> -> memref<16384xf32, #tpu.memory_space<hbm>>
      tpu.enqueue_dma source(%dma_start3A_53 : memref<16384xf32, #tpu.memory_space<hbm>>) target(%arg16 : memref<16384xf32, #tpu.memory_space<vmem>>) target_semaphore(%run_scoped3A : memref<!tpu.dma_semaphore, #tpu.memory_space<semaphore_mem>>)
      %dma_wait3A = tpu.memref_slice %arg5[%mul3A_43] : memref<65536xf32, #tpu.memory_space<hbm>> -> memref<16384xf32, #tpu.memory_space<hbm>>
      %dma_wait3A_54 = tpu.memref_slice %arg5[%mul3A_43] : memref<65536xf32, #tpu.memory_space<hbm>> -> memref<16384xf32, #tpu.memory_space<hbm>>
      tpu.wait_dma2 semaphore(%run_scoped3A : memref<!tpu.dma_semaphore, #tpu.memory_space<semaphore_mem>>) src(%dma_wait3A_54 : memref<16384xf32, #tpu.memory_space<hbm>>) dst(%arg16 : memref<16384xf32, #tpu.memory_space<vmem>>)
      tpu.yield
    }) : () -> ()
    "tpu.region"() ({
      %run_scoped3A = tpu.sem_alloc : memref<!tpu.dma_semaphore, #tpu.memory_space<semaphore_mem>>
      %dma_start3A = tpu.memref_slice %arg6[%add3A_35] : memref<2048xf32, #tpu.memory_space<hbm>> -> memref<64xf32, #tpu.memory_space<hbm>>
      %dma_start3A_53 = tpu.memref_slice %arg6[%add3A_35] : memref<2048xf32, #tpu.memory_space<hbm>> -> memref<64xf32, #tpu.memory_space<hbm>>
      tpu.enqueue_dma source(%dma_start3A_53 : memref<64xf32, #tpu.memory_space<hbm>>) target(%arg17 : memref<64xf32, #tpu.memory_space<vmem>>) target_semaphore(%run_scoped3A : memref<!tpu.dma_semaphore, #tpu.memory_space<semaphore_mem>>)
      %dma_wait3A = tpu.memref_slice %arg6[%add3A_35] : memref<2048xf32, #tpu.memory_space<hbm>> -> memref<64xf32, #tpu.memory_space<hbm>>
      %dma_wait3A_54 = tpu.memref_slice %arg6[%add3A_35] : memref<2048xf32, #tpu.memory_space<hbm>> -> memref<64xf32, #tpu.memory_space<hbm>>
      tpu.wait_dma2 semaphore(%run_scoped3A : memref<!tpu.dma_semaphore, #tpu.memory_space<semaphore_mem>>) src(%dma_wait3A_54 : memref<64xf32, #tpu.memory_space<hbm>>) dst(%arg17 : memref<64xf32, #tpu.memory_space<vmem>>)
      tpu.yield
    }) : () -> ()
    "tpu.region"() ({
      %run_scoped3A = tpu.sem_alloc : memref<!tpu.dma_semaphore, #tpu.memory_space<semaphore_mem>>
      %dma_start3A = tpu.memref_slice %arg7[%add3A_35] : memref<2048xf32, #tpu.memory_space<hbm>> -> memref<64xf32, #tpu.memory_space<hbm>>
      %dma_start3A_53 = tpu.memref_slice %arg7[%add3A_35] : memref<2048xf32, #tpu.memory_space<hbm>> -> memref<64xf32, #tpu.memory_space<hbm>>
      tpu.enqueue_dma source(%dma_start3A_53 : memref<64xf32, #tpu.memory_space<hbm>>) target(%arg18 : memref<64xf32, #tpu.memory_space<vmem>>) target_semaphore(%run_scoped3A : memref<!tpu.dma_semaphore, #tpu.memory_space<semaphore_mem>>)
      %dma_wait3A = tpu.memref_slice %arg7[%add3A_35] : memref<2048xf32, #tpu.memory_space<hbm>> -> memref<64xf32, #tpu.memory_space<hbm>>
      %dma_wait3A_54 = tpu.memref_slice %arg7[%add3A_35] : memref<2048xf32, #tpu.memory_space<hbm>> -> memref<64xf32, #tpu.memory_space<hbm>>
      tpu.wait_dma2 semaphore(%run_scoped3A : memref<!tpu.dma_semaphore, #tpu.memory_space<semaphore_mem>>) src(%dma_wait3A_54 : memref<64xf32, #tpu.memory_space<hbm>>) dst(%arg18 : memref<64xf32, #tpu.memory_space<vmem>>)
      tpu.yield
    }) : () -> ()
    "tpu.region"() ({
      %run_scoped3A = tpu.sem_alloc : memref<!tpu.dma_semaphore, #tpu.memory_space<semaphore_mem>>
      %dma_start3A = tpu.memref_slice %arg8[%add3A_35] : memref<2048xf32, #tpu.memory_space<hbm>> -> memref<64xf32, #tpu.memory_space<hbm>>
      %dma_start3A_53 = tpu.memref_slice %arg8[%add3A_35] : memref<2048xf32, #tpu.memory_space<hbm>> -> memref<64xf32, #tpu.memory_space<hbm>>
      tpu.enqueue_dma source(%dma_start3A_53 : memref<64xf32, #tpu.memory_space<hbm>>) target(%arg19 : memref<64xf32, #tpu.memory_space<vmem>>) target_semaphore(%run_scoped3A : memref<!tpu.dma_semaphore, #tpu.memory_space<semaphore_mem>>)
      %dma_wait3A = tpu.memref_slice %arg8[%add3A_35] : memref<2048xf32, #tpu.memory_space<hbm>> -> memref<64xf32, #tpu.memory_space<hbm>>
      %dma_wait3A_54 = tpu.memref_slice %arg8[%add3A_35] : memref<2048xf32, #tpu.memory_space<hbm>> -> memref<64xf32, #tpu.memory_space<hbm>>
      tpu.wait_dma2 semaphore(%run_scoped3A : memref<!tpu.dma_semaphore, #tpu.memory_space<semaphore_mem>>) src(%dma_wait3A_54 : memref<64xf32, #tpu.memory_space<hbm>>) dst(%arg19 : memref<64xf32, #tpu.memory_space<vmem>>)
      tpu.yield
    }) : () -> ()
    "tpu.region"() ({
      %run_scoped3A = tpu.sem_alloc : memref<!tpu.dma_semaphore, #tpu.memory_space<semaphore_mem>>
      %dma_start3A = tpu.memref_slice %arg9[%add3A_35] : memref<2048xf32, #tpu.memory_space<hbm>> -> memref<64xf32, #tpu.memory_space<hbm>>
      %dma_start3A_53 = tpu.memref_slice %arg9[%add3A_35] : memref<2048xf32, #tpu.memory_space<hbm>> -> memref<64xf32, #tpu.memory_space<hbm>>
      tpu.enqueue_dma source(%dma_start3A_53 : memref<64xf32, #tpu.memory_space<hbm>>) target(%arg20 : memref<64xf32, #tpu.memory_space<vmem>>) target_semaphore(%run_scoped3A : memref<!tpu.dma_semaphore, #tpu.memory_space<semaphore_mem>>)
      %dma_wait3A = tpu.memref_slice %arg9[%add3A_35] : memref<2048xf32, #tpu.memory_space<hbm>> -> memref<64xf32, #tpu.memory_space<hbm>>
      %dma_wait3A_54 = tpu.memref_slice %arg9[%add3A_35] : memref<2048xf32, #tpu.memory_space<hbm>> -> memref<64xf32, #tpu.memory_space<hbm>>
      tpu.wait_dma2 semaphore(%run_scoped3A : memref<!tpu.dma_semaphore, #tpu.memory_space<semaphore_mem>>) src(%dma_wait3A_54 : memref<64xf32, #tpu.memory_space<hbm>>) dst(%arg20 : memref<64xf32, #tpu.memory_space<vmem>>)
      tpu.yield
    }) : () -> ()
    "tpu.region"() ({
      %run_scoped3A = tpu.sem_alloc : memref<!tpu.dma_semaphore, #tpu.memory_space<semaphore_mem>>
      %dma_start3A = tpu.memref_slice %arg10[%add3A_35] : memref<2048xf32, #tpu.memory_space<hbm>> -> memref<64xf32, #tpu.memory_space<hbm>>
      %dma_start3A_53 = tpu.memref_slice %arg10[%add3A_35] : memref<2048xf32, #tpu.memory_space<hbm>> -> memref<64xf32, #tpu.memory_space<hbm>>
      tpu.enqueue_dma source(%dma_start3A_53 : memref<64xf32, #tpu.memory_space<hbm>>) target(%arg21 : memref<64xf32, #tpu.memory_space<vmem>>) target_semaphore(%run_scoped3A : memref<!tpu.dma_semaphore, #tpu.memory_space<semaphore_mem>>)
      %dma_wait3A = tpu.memref_slice %arg10[%add3A_35] : memref<2048xf32, #tpu.memory_space<hbm>> -> memref<64xf32, #tpu.memory_space<hbm>>
      %dma_wait3A_54 = tpu.memref_slice %arg10[%add3A_35] : memref<2048xf32, #tpu.memory_space<hbm>> -> memref<64xf32, #tpu.memory_space<hbm>>
      tpu.wait_dma2 semaphore(%run_scoped3A : memref<!tpu.dma_semaphore, #tpu.memory_space<semaphore_mem>>) src(%dma_wait3A_54 : memref<64xf32, #tpu.memory_space<hbm>>) dst(%arg21 : memref<64xf32, #tpu.memory_space<vmem>>)
      tpu.yield
    }) : () -> ()
    %broadcast_in_dim3A = arith.constant 0x7F800000 : f32
    %broadcast_in_dim3A_44 = vector.broadcast %broadcast_in_dim3A : f32 to vector<16xf32>
    %broadcast_in_dim3A_45 = arith.constant 0 : i32
    %broadcast_in_dim3A_46 = vector.broadcast %broadcast_in_dim3A_45 : i32 to vector<16xi32>
    %iota3A = tpu.iota {dimensions = array<i32: 0>} : vector<16xi32>
    %scan3A = arith.constant 0 : i32
    %scan3A_47 = arith.constant 0 : i32
    %scan3A_48 = arith.constant 64 : i32
    %scan3A_49 = arith.addi %scan3A_47, %scan3A_48 : i32
    %scan3A_50 = arith.constant 1 : i32
    %scan3A_51 = scf.for %scan3A_53 = %scan3A_47 to %scan3A_49 step %scan3A_50 iter_args(%scan3A_54 = %scan3A) -> (i32)  : i32 {
      %broadcast_in_dim3A_55 = vector.broadcast %scan3A_53 : i32 to vector<16xi32>
      %gather3A = tpu.vector_load_idx %arg17[%broadcast_in_dim3A_55] : memref<64xf32, #tpu.memory_space<vmem>>[vector<16xi32>], vector<16xf32>,
      %gather3A_56 = tpu.vector_load_idx %arg18[%broadcast_in_dim3A_55] : memref<64xf32, #tpu.memory_space<vmem>>[vector<16xi32>], vector<16xf32>,
      %gather3A_57 = tpu.vector_load_idx %arg19[%broadcast_in_dim3A_55] : memref<64xf32, #tpu.memory_space<vmem>>[vector<16xi32>], vector<16xf32>,
      %gather3A_58 = tpu.vector_load_idx %arg20[%broadcast_in_dim3A_55] : memref<64xf32, #tpu.memory_space<vmem>>[vector<16xi32>], vector<16xf32>,
      %gather3A_59 = tpu.vector_load_idx %arg21[%broadcast_in_dim3A_55] : memref<64xf32, #tpu.memory_space<vmem>>[vector<16xi32>], vector<16xf32>,
      %swap3A = arith.constant 0 : index
      %swap3A_60 = tpu.vector_load %arg22[%swap3A] {strides = array<i32>} : memref<256xf32, #tpu.memory_space<vmem>>, vector<16xf32>,
      tpu.vector_store %arg22[%swap3A], %broadcast_in_dim3A_44 {strides = array<i32>} : memref<256xf32, #tpu.memory_space<vmem>>, vector<16xf32>,
      %swap3A_61 = arith.constant 0 : index
      %swap3A_62 = tpu.vector_load %arg23[%swap3A_61] {strides = array<i32>} : memref<256xi32, #tpu.memory_space<vmem>>, vector<16xi32>,
      tpu.vector_store %arg23[%swap3A_61], %broadcast_in_dim3A_46 {strides = array<i32>} : memref<256xi32, #tpu.memory_space<vmem>>, vector<16xi32>,
      %swap3A_63 = arith.constant 16 : index
      %swap3A_64 = tpu.vector_load %arg22[%swap3A_63] {strides = array<i32>} : memref<256xf32, #tpu.memory_space<vmem>>, vector<16xf32>,
      tpu.vector_store %arg22[%swap3A_63], %broadcast_in_dim3A_44 {strides = array<i32>} : memref<256xf32, #tpu.memory_space<vmem>>, vector<16xf32>,
      %swap3A_65 = arith.constant 16 : index
      %swap3A_66 = tpu.vector_load %arg23[%swap3A_65] {strides = array<i32>} : memref<256xi32, #tpu.memory_space<vmem>>, vector<16xi32>,
      tpu.vector_store %arg23[%swap3A_65], %broadcast_in_dim3A_46 {strides = array<i32>} : memref<256xi32, #tpu.memory_space<vmem>>, vector<16xi32>,
      %swap3A_67 = arith.constant 32 : index
      %swap3A_68 = tpu.vector_load %arg22[%swap3A_67] {strides = array<i32>} : memref<256xf32, #tpu.memory_space<vmem>>, vector<16xf32>,
      tpu.vector_store %arg22[%swap3A_67], %broadcast_in_dim3A_44 {strides = array<i32>} : memref<256xf32, #tpu.memory_space<vmem>>, vector<16xf32>,
      %swap3A_69 = arith.constant 32 : index
      %swap3A_70 = tpu.vector_load %arg23[%swap3A_69] {strides = array<i32>} : memref<256xi32, #tpu.memory_space<vmem>>, vector<16xi32>,
      tpu.vector_store %arg23[%swap3A_69], %broadcast_in_dim3A_46 {strides = array<i32>} : memref<256xi32, #tpu.memory_space<vmem>>, vector<16xi32>,
      %swap3A_71 = arith.constant 48 : index
      %swap3A_72 = tpu.vector_load %arg22[%swap3A_71] {strides = array<i32>} : memref<256xf32, #tpu.memory_space<vmem>>, vector<16xf32>,
      tpu.vector_store %arg22[%swap3A_71], %broadcast_in_dim3A_44 {strides = array<i32>} : memref<256xf32, #tpu.memory_space<vmem>>, vector<16xf32>,
      %swap3A_73 = arith.constant 48 : index
      %swap3A_74 = tpu.vector_load %arg23[%swap3A_73] {strides = array<i32>} : memref<256xi32, #tpu.memory_space<vmem>>, vector<16xi32>,
      tpu.vector_store %arg23[%swap3A_73], %broadcast_in_dim3A_46 {strides = array<i32>} : memref<256xi32, #tpu.memory_space<vmem>>, vector<16xi32>,
      %swap3A_75 = arith.constant 64 : index
      %swap3A_76 = tpu.vector_load %arg22[%swap3A_75] {strides = array<i32>} : memref<256xf32, #tpu.memory_space<vmem>>, vector<16xf32>,
      tpu.vector_store %arg22[%swap3A_75], %broadcast_in_dim3A_44 {strides = array<i32>} : memref<256xf32, #tpu.memory_space<vmem>>, vector<16xf32>,
      %swap3A_77 = arith.constant 64 : index
      %swap3A_78 = tpu.vector_load %arg23[%swap3A_77] {strides = array<i32>} : memref<256xi32, #tpu.memory_space<vmem>>, vector<16xi32>,
      tpu.vector_store %arg23[%swap3A_77], %broadcast_in_dim3A_46 {strides = array<i32>} : memref<256xi32, #tpu.memory_space<vmem>>, vector<16xi32>,
      %swap3A_79 = arith.constant 80 : index
      %swap3A_80 = tpu.vector_load %arg22[%swap3A_79] {strides = array<i32>} : memref<256xf32, #tpu.memory_space<vmem>>, vector<16xf32>,
      tpu.vector_store %arg22[%swap3A_79], %broadcast_in_dim3A_44 {strides = array<i32>} : memref<256xf32, #tpu.memory_space<vmem>>, vector<16xf32>,
      %swap3A_81 = arith.constant 80 : index
      %swap3A_82 = tpu.vector_load %arg23[%swap3A_81] {strides = array<i32>} : memref<256xi32, #tpu.memory_space<vmem>>, vector<16xi32>,
      tpu.vector_store %arg23[%swap3A_81], %broadcast_in_dim3A_46 {strides = array<i32>} : memref<256xi32, #tpu.memory_space<vmem>>, vector<16xi32>,
      %swap3A_83 = arith.constant 96 : index
      %swap3A_84 = tpu.vector_load %arg22[%swap3A_83] {strides = array<i32>} : memref<256xf32, #tpu.memory_space<vmem>>, vector<16xf32>,
      tpu.vector_store %arg22[%swap3A_83], %broadcast_in_dim3A_44 {strides = array<i32>} : memref<256xf32, #tpu.memory_space<vmem>>, vector<16xf32>,
      %swap3A_85 = arith.constant 96 : index
      %swap3A_86 = tpu.vector_load %arg23[%swap3A_85] {strides = array<i32>} : memref<256xi32, #tpu.memory_space<vmem>>, vector<16xi32>,
      tpu.vector_store %arg23[%swap3A_85], %broadcast_in_dim3A_46 {strides = array<i32>} : memref<256xi32, #tpu.memory_space<vmem>>, vector<16xi32>,
      %swap3A_87 = arith.constant 112 : index
      %swap3A_88 = tpu.vector_load %arg22[%swap3A_87] {strides = array<i32>} : memref<256xf32, #tpu.memory_space<vmem>>, vector<16xf32>,
      tpu.vector_store %arg22[%swap3A_87], %broadcast_in_dim3A_44 {strides = array<i32>} : memref<256xf32, #tpu.memory_space<vmem>>, vector<16xf32>,
      %swap3A_89 = arith.constant 112 : index
      %swap3A_90 = tpu.vector_load %arg23[%swap3A_89] {strides = array<i32>} : memref<256xi32, #tpu.memory_space<vmem>>, vector<16xi32>,
      tpu.vector_store %arg23[%swap3A_89], %broadcast_in_dim3A_46 {strides = array<i32>} : memref<256xi32, #tpu.memory_space<vmem>>, vector<16xi32>,
      %swap3A_91 = arith.constant 128 : index
      %swap3A_92 = tpu.vector_load %arg22[%swap3A_91] {strides = array<i32>} : memref<256xf32, #tpu.memory_space<vmem>>, vector<16xf32>,
      tpu.vector_store %arg22[%swap3A_91], %broadcast_in_dim3A_44 {strides = array<i32>} : memref<256xf32, #tpu.memory_space<vmem>>, vector<16xf32>,
      %swap3A_93 = arith.constant 128 : index
      %swap3A_94 = tpu.vector_load %arg23[%swap3A_93] {strides = array<i32>} : memref<256xi32, #tpu.memory_space<vmem>>, vector<16xi32>,
      tpu.vector_store %arg23[%swap3A_93], %broadcast_in_dim3A_46 {strides = array<i32>} : memref<256xi32, #tpu.memory_space<vmem>>, vector<16xi32>,
      %swap3A_95 = arith.constant 144 : index
      %swap3A_96 = tpu.vector_load %arg22[%swap3A_95] {strides = array<i32>} : memref<256xf32, #tpu.memory_space<vmem>>, vector<16xf32>,
      tpu.vector_store %arg22[%swap3A_95], %broadcast_in_dim3A_44 {strides = array<i32>} : memref<256xf32, #tpu.memory_space<vmem>>, vector<16xf32>,
      %swap3A_97 = arith.constant 144 : index
      %swap3A_98 = tpu.vector_load %arg23[%swap3A_97] {strides = array<i32>} : memref<256xi32, #tpu.memory_space<vmem>>, vector<16xi32>,
      tpu.vector_store %arg23[%swap3A_97], %broadcast_in_dim3A_46 {strides = array<i32>} : memref<256xi32, #tpu.memory_space<vmem>>, vector<16xi32>,
      %swap3A_99 = arith.constant 160 : index
      %swap3A_100 = tpu.vector_load %arg22[%swap3A_99] {strides = array<i32>} : memref<256xf32, #tpu.memory_space<vmem>>, vector<16xf32>,
      tpu.vector_store %arg22[%swap3A_99], %broadcast_in_dim3A_44 {strides = array<i32>} : memref<256xf32, #tpu.memory_space<vmem>>, vector<16xf32>,
      %swap3A_101 = arith.constant 160 : index
      %swap3A_102 = tpu.vector_load %arg23[%swap3A_101] {strides = array<i32>} : memref<256xi32, #tpu.memory_space<vmem>>, vector<16xi32>,
      tpu.vector_store %arg23[%swap3A_101], %broadcast_in_dim3A_46 {strides = array<i32>} : memref<256xi32, #tpu.memory_space<vmem>>, vector<16xi32>,
      %swap3A_103 = arith.constant 176 : index
      %swap3A_104 = tpu.vector_load %arg22[%swap3A_103] {strides = array<i32>} : memref<256xf32, #tpu.memory_space<vmem>>, vector<16xf32>,
      tpu.vector_store %arg22[%swap3A_103], %broadcast_in_dim3A_44 {strides = array<i32>} : memref<256xf32, #tpu.memory_space<vmem>>, vector<16xf32>,
      %swap3A_105 = arith.constant 176 : index
      %swap3A_106 = tpu.vector_load %arg23[%swap3A_105] {strides = array<i32>} : memref<256xi32, #tpu.memory_space<vmem>>, vector<16xi32>,
      tpu.vector_store %arg23[%swap3A_105], %broadcast_in_dim3A_46 {strides = array<i32>} : memref<256xi32, #tpu.memory_space<vmem>>, vector<16xi32>,
      %swap3A_107 = arith.constant 192 : index
      %swap3A_108 = tpu.vector_load %arg22[%swap3A_107] {strides = array<i32>} : memref<256xf32, #tpu.memory_space<vmem>>, vector<16xf32>,
      tpu.vector_store %arg22[%swap3A_107], %broadcast_in_dim3A_44 {strides = array<i32>} : memref<256xf32, #tpu.memory_space<vmem>>, vector<16xf32>,
      %swap3A_109 = arith.constant 192 : index
      %swap3A_110 = tpu.vector_load %arg23[%swap3A_109] {strides = array<i32>} : memref<256xi32, #tpu.memory_space<vmem>>, vector<16xi32>,
      tpu.vector_store %arg23[%swap3A_109], %broadcast_in_dim3A_46 {strides = array<i32>} : memref<256xi32, #tpu.memory_space<vmem>>, vector<16xi32>,
      %swap3A_111 = arith.constant 208 : index
      %swap3A_112 = tpu.vector_load %arg22[%swap3A_111] {strides = array<i32>} : memref<256xf32, #tpu.memory_space<vmem>>, vector<16xf32>,
      tpu.vector_store %arg22[%swap3A_111], %broadcast_in_dim3A_44 {strides = array<i32>} : memref<256xf32, #tpu.memory_space<vmem>>, vector<16xf32>,
      %swap3A_113 = arith.constant 208 : index
      %swap3A_114 = tpu.vector_load %arg23[%swap3A_113] {strides = array<i32>} : memref<256xi32, #tpu.memory_space<vmem>>, vector<16xi32>,
      tpu.vector_store %arg23[%swap3A_113], %broadcast_in_dim3A_46 {strides = array<i32>} : memref<256xi32, #tpu.memory_space<vmem>>, vector<16xi32>,
      %swap3A_115 = arith.constant 224 : index
      %swap3A_116 = tpu.vector_load %arg22[%swap3A_115] {strides = array<i32>} : memref<256xf32, #tpu.memory_space<vmem>>, vector<16xf32>,
      tpu.vector_store %arg22[%swap3A_115], %broadcast_in_dim3A_44 {strides = array<i32>} : memref<256xf32, #tpu.memory_space<vmem>>, vector<16xf32>,
      %swap3A_117 = arith.constant 224 : index
      %swap3A_118 = tpu.vector_load %arg23[%swap3A_117] {strides = array<i32>} : memref<256xi32, #tpu.memory_space<vmem>>, vector<16xi32>,
      tpu.vector_store %arg23[%swap3A_117], %broadcast_in_dim3A_46 {strides = array<i32>} : memref<256xi32, #tpu.memory_space<vmem>>, vector<16xi32>,
      %swap3A_119 = arith.constant 240 : index
      %swap3A_120 = tpu.vector_load %arg22[%swap3A_119] {strides = array<i32>} : memref<256xf32, #tpu.memory_space<vmem>>, vector<16xf32>,
      tpu.vector_store %arg22[%swap3A_119], %broadcast_in_dim3A_44 {strides = array<i32>} : memref<256xf32, #tpu.memory_space<vmem>>, vector<16xf32>,
      %swap3A_121 = arith.constant 240 : index
      %swap3A_122 = tpu.vector_load %arg23[%swap3A_121] {strides = array<i32>} : memref<256xi32, #tpu.memory_space<vmem>>, vector<16xi32>,
      tpu.vector_store %arg23[%swap3A_121], %broadcast_in_dim3A_46 {strides = array<i32>} : memref<256xi32, #tpu.memory_space<vmem>>, vector<16xi32>,
      %broadcast_in_dim3A_123 = arith.constant 0 : i32
      %broadcast_in_dim3A_124 = vector.broadcast %broadcast_in_dim3A_123 : i32 to vector<16xi32>
      %scan3A_125 = arith.constant 0 : i32
      %scan3A_126 = arith.constant 1024 : i32
      %scan3A_127 = arith.addi %scan3A_125, %scan3A_126 : i32
      %scan3A_128 = arith.constant 1 : i32
      %scan3A_129 = scf.for %scan3A_137 = %scan3A_125 to %scan3A_127 step %scan3A_128 iter_args(%scan3A_138 = %broadcast_in_dim3A_124) -> (vector<16xi32>)  : i32 {
        %mul3A_139 = arith.constant 16 : i32
        %mul3A_140 = arith.muli %scan3A_137, %mul3A_139 : i32
        %get3A = arith.index_cast %mul3A_140 : i32 to index
        %get3A_141 = tpu.vector_load %arg13[%get3A] {strides = array<i32>} : memref<16384xf32, #tpu.memory_space<vmem>>, vector<16xf32>,
        %mul3A_142 = arith.constant 16 : i32
        %mul3A_143 = arith.muli %scan3A_137, %mul3A_142 : i32
        %get3A_144 = arith.index_cast %mul3A_143 : i32 to index
        %get3A_145 = tpu.vector_load %arg14[%get3A_144] {strides = array<i32>} : memref<16384xf32, #tpu.memory_space<vmem>>, vector<16xf32>,
        %mul3A_146 = arith.constant 16 : i32
        %mul3A_147 = arith.muli %scan3A_137, %mul3A_146 : i32
        %get3A_148 = arith.index_cast %mul3A_147 : i32 to index
        %get3A_149 = tpu.vector_load %arg15[%get3A_148] {strides = array<i32>} : memref<16384xf32, #tpu.memory_space<vmem>>, vector<16xf32>,
        %mul3A_150 = arith.constant 16 : i32
        %mul3A_151 = arith.muli %scan3A_137, %mul3A_150 : i32
        %get3A_152 = arith.index_cast %mul3A_151 : i32 to index
        %get3A_153 = tpu.vector_load %arg16[%get3A_152] {strides = array<i32>} : memref<16384xf32, #tpu.memory_space<vmem>>, vector<16xf32>,
        %mul3A_154 = arith.mulf %gather3A, %get3A_141 : vector<16xf32>
        %mul3A_155 = arith.mulf %gather3A_56, %get3A_145 : vector<16xf32>
        %add3A_156 = arith.addf %mul3A_154, %mul3A_155 : vector<16xf32>
        %mul3A_157 = arith.mulf %gather3A_57, %get3A_149 : vector<16xf32>
        %add3A_158 = arith.addf %add3A_156, %mul3A_157 : vector<16xf32>
        %add3A_159 = arith.addf %gather3A_58, %get3A_153 : vector<16xf32>
        %mul3A_160 = arith.constant 2.000000e+00 : f32
        %mul3A_161 = vector.broadcast %mul3A_160 : f32 to vector<16xf32>
        %mul3A_162 = arith.mulf %mul3A_161, %add3A_158 : vector<16xf32>
        %sub3A_163 = arith.subf %add3A_159, %mul3A_162 : vector<16xf32>
        %max3A = arith.constant 0.000000e+00 : f32
        %max3A_164 = vector.broadcast %max3A : f32 to vector<16xf32>
        %max3A_165 = arith.maximumf %sub3A_163, %max3A_164 : vector<16xf32>
        %le3A = arith.cmpf ole, %max3A_165, %gather3A_59 : vector<16xf32>
        %convert_element_type3A = arith.extui %le3A : vector<16xi1> to vector<16xi32>
        %broadcast_in_dim3A_166 = arith.constant true
        %broadcast_in_dim3A_167 = vector.broadcast %broadcast_in_dim3A_166 : i1 to vector<16xi1>
        %masked_cumsum3A = tpu.scan <sum>, %convert_element_type3A masked %broadcast_in_dim3A_167 : vector<16xi32>, vector<16xi1> -> vector<16xi32>
        %add3A_168 = arith.addi %scan3A_138, %masked_cumsum3A : vector<16xi32>
        %sub3A_169 = arith.constant 1 : i32
        %sub3A_170 = vector.broadcast %sub3A_169 : i32 to vector<16xi32>
        %sub3A_171 = arith.subi %add3A_168, %sub3A_170 : vector<16xi32>
        %min3A = arith.constant 255 : i32
        %min3A_172 = vector.broadcast %min3A : i32 to vector<16xi32>
        %min3A_173 = arith.minsi %sub3A_171, %min3A_172 : vector<16xi32>
        tpu.vector_store_idx %arg22[%min3A_173], %max3A_165 masked %le3A : memref<256xf32, #tpu.memory_space<vmem>>[vector<16xi32>], vector<16xf32>, vector<16xi1>
        %mul3A_174 = arith.constant 16 : i32
        %mul3A_175 = arith.muli %scan3A_137, %mul3A_174 : i32
        %add3A_176 = vector.broadcast %mul3A_175 : i32 to vector<16xi32>
        %add3A_177 = arith.addi %iota3A, %add3A_176 : vector<16xi32>
        tpu.vector_store_idx %arg23[%min3A_173], %add3A_177 masked %le3A : memref<256xi32, #tpu.memory_space<vmem>>[vector<16xi32>], vector<16xi32>, vector<16xi1>
        %all_reduce_population_count3A = tpu.all_reduce %le3A {dim = 0 : i64, kind = #tpu.reduction_kind<sum>} : vector<16xi1> -> vector<16xi32>
        %add3A_178 = arith.addi %scan3A_138, %all_reduce_population_count3A : vector<16xi32>
        scf.yield %add3A_178 : vector<16xi32>
      }
      %scan3A_130 = arith.constant 1024 : i32
      %add3A_131 = arith.addi %add3A_35, %scan3A_53 : i32
      %mul3A_132 = arith.constant 256 : i32
      %mul3A_133 = arith.muli %add3A_131, %mul3A_132 : i32
      "tpu.region"() ({
        %run_scoped3A = tpu.sem_alloc : memref<!tpu.dma_semaphore, #tpu.memory_space<semaphore_mem>>
        %dma_start3A = tpu.memref_slice %arg11[%mul3A_133] : memref<524288xf32, #tpu.memory_space<hbm>> -> memref<256xf32, #tpu.memory_space<hbm>>
        %dma_start3A_137 = tpu.memref_slice %arg11[%mul3A_133] : memref<524288xf32, #tpu.memory_space<hbm>> -> memref<256xf32, #tpu.memory_space<hbm>>
        tpu.enqueue_dma source(%arg22 : memref<256xf32, #tpu.memory_space<vmem>>) target(%dma_start3A_137 : memref<256xf32, #tpu.memory_space<hbm>>) target_semaphore(%run_scoped3A : memref<!tpu.dma_semaphore, #tpu.memory_space<semaphore_mem>>)
        %dma_wait3A = tpu.memref_slice %arg11[%mul3A_133] : memref<524288xf32, #tpu.memory_space<hbm>> -> memref<256xf32, #tpu.memory_space<hbm>>
        %dma_wait3A_138 = tpu.memref_slice %arg11[%mul3A_133] : memref<524288xf32, #tpu.memory_space<hbm>> -> memref<256xf32, #tpu.memory_space<hbm>>
        tpu.wait_dma2 semaphore(%run_scoped3A : memref<!tpu.dma_semaphore, #tpu.memory_space<semaphore_mem>>) src(%arg22 : memref<256xf32, #tpu.memory_space<vmem>>) dst(%dma_wait3A_138 : memref<256xf32, #tpu.memory_space<hbm>>)
        tpu.yield
      }) : () -> ()
      %mul3A_134 = arith.constant 256 : i32
      %mul3A_135 = arith.muli %add3A_131, %mul3A_134 : i32
      "tpu.region"() ({
        %run_scoped3A = tpu.sem_alloc : memref<!tpu.dma_semaphore, #tpu.memory_space<semaphore_mem>>
        %dma_start3A = tpu.memref_slice %arg12[%mul3A_135] : memref<524288xi32, #tpu.memory_space<hbm>> -> memref<256xi32, #tpu.memory_space<hbm>>
        %dma_start3A_137 = tpu.memref_slice %arg12[%mul3A_135] : memref<524288xi32, #tpu.memory_space<hbm>> -> memref<256xi32, #tpu.memory_space<hbm>>
        tpu.enqueue_dma source(%arg23 : memref<256xi32, #tpu.memory_space<vmem>>) target(%dma_start3A_137 : memref<256xi32, #tpu.memory_space<hbm>>) target_semaphore(%run_scoped3A : memref<!tpu.dma_semaphore, #tpu.memory_space<semaphore_mem>>)
        %dma_wait3A = tpu.memref_slice %arg12[%mul3A_135] : memref<524288xi32, #tpu.memory_space<hbm>> -> memref<256xi32, #tpu.memory_space<hbm>>
        %dma_wait3A_138 = tpu.memref_slice %arg12[%mul3A_135] : memref<524288xi32, #tpu.memory_space<hbm>> -> memref<256xi32, #tpu.memory_space<hbm>>
        tpu.wait_dma2 semaphore(%run_scoped3A : memref<!tpu.dma_semaphore, #tpu.memory_space<semaphore_mem>>) src(%arg23 : memref<256xi32, #tpu.memory_space<vmem>>) dst(%dma_wait3A_138 : memref<256xi32, #tpu.memory_space<hbm>>)
        tpu.yield
      }) : () -> ()
      %scan3A_136 = arith.constant 0 : i32
      scf.yield %scan3A_136 : i32
    }
    %scan3A_52 = arith.constant 64 : i32
    return
  }
}

module attributes {stable_mosaic.version = 14 : i64} {
  func.func @_fps_body(%arg0: memref<4x3x128x128xf32, #tpu.memory_space<vmem>>, %arg1: memref<4x512x1xi32, #tpu.memory_space<vmem>>, %arg2: memref<4x512x1xf32, #tpu.memory_space<vmem>>, %arg3: memref<4x512x1xf32, #tpu.memory_space<vmem>>, %arg4: memref<4x512x1xf32, #tpu.memory_space<vmem>>) attributes {dimension_semantics = [], scalar_prefetch = 0 : i64, scratch_operands = 0 : i64, tpu.core_type = #tpu.core_type<tc>} {
    %get3A = arith.constant 0 : index
    %get3A_0 = arith.constant 0 : index
    %get3A_1 = arith.constant 0 : index
    %get3A_2 = arith.constant 0 : index
    %get3A_3 = vector.load %arg0[%get3A, %get3A_0, %get3A_1, %get3A_2] : memref<4x3x128x128xf32, #tpu.memory_space<vmem>>, vector<4x1x128x128xf32>
    %get3A_4 = vector.shape_cast %get3A_3 : vector<4x1x128x128xf32> to vector<4x128x128xf32>
    %get3A_5 = arith.constant 0 : index
    %get3A_6 = arith.constant 1 : index
    %get3A_7 = arith.constant 0 : index
    %get3A_8 = arith.constant 0 : index
    %get3A_9 = vector.load %arg0[%get3A_5, %get3A_6, %get3A_7, %get3A_8] : memref<4x3x128x128xf32, #tpu.memory_space<vmem>>, vector<4x1x128x128xf32>
    %get3A_10 = vector.shape_cast %get3A_9 : vector<4x1x128x128xf32> to vector<4x128x128xf32>
    %get3A_11 = arith.constant 0 : index
    %get3A_12 = arith.constant 2 : index
    %get3A_13 = arith.constant 0 : index
    %get3A_14 = arith.constant 0 : index
    %get3A_15 = vector.load %arg0[%get3A_11, %get3A_12, %get3A_13, %get3A_14] : memref<4x3x128x128xf32, #tpu.memory_space<vmem>>, vector<4x1x128x128xf32>
    %get3A_16 = vector.shape_cast %get3A_15 : vector<4x1x128x128xf32> to vector<4x128x128xf32>
    %iota3A = tpu.iota {dimensions = array<i32: 1>} : vector<4x128x128xi32>
    %mul3A = arith.constant 128 : i32
    %mul3A_17 = vector.broadcast %mul3A : i32 to vector<4x128x128xi32>
    %mul3A_18 = arith.muli %iota3A, %mul3A_17 : vector<4x128x128xi32>
    %iota3A_19 = tpu.iota {dimensions = array<i32: 2>} : vector<4x128x128xi32>
    %add3A = arith.addi %mul3A_18, %iota3A_19 : vector<4x128x128xi32>
    %convert_element_type3A = arith.sitofp %add3A : vector<4x128x128xi32> to vector<4x128x128xf32>
    %broadcast_in_dim3A = arith.constant 1.000000e+10 : f32
    %broadcast_in_dim3A_20 = vector.broadcast %broadcast_in_dim3A : f32 to vector<4x128x128xf32>
    %broadcast_in_dim3A_21 = arith.constant 0.000000e+00 : f32
    %broadcast_in_dim3A_22 = vector.broadcast %broadcast_in_dim3A_21 : f32 to vector<4xf32>
    %scan3A = arith.constant 0 : i32
    %scan3A_23 = arith.constant 512 : i32
    %scan3A_24 = arith.addi %scan3A, %scan3A_23 : i32
    %scan3A_25 = arith.constant 1 : i32
    %scan3A_26:2 = scf.for %scan3A_28 = %scan3A to %scan3A_24 step %scan3A_25 iter_args(%scan3A_29 = %broadcast_in_dim3A_20, %scan3A_30 = %broadcast_in_dim3A_22) -> (vector<4x128x128xf32>, vector<4xf32>)  : i32 {
      %broadcast_in_dim3A_31 = vector.shape_cast %scan3A_30 : vector<4xf32> to vector<4x1x1xf32>
      %eq3A = vector.broadcast %broadcast_in_dim3A_31 : vector<4x1x1xf32> to vector<4x128x128xf32>
      %eq3A_32 = arith.cmpf oeq, %convert_element_type3A, %eq3A : vector<4x128x128xf32>
      %convert_element_type3A_33 = arith.extui %eq3A_32 : vector<4x128x128xi1> to vector<4x128x128xi32>
      %convert_element_type3A_34 = arith.sitofp %convert_element_type3A_33 : vector<4x128x128xi32> to vector<4x128x128xf32>
      %mul3A_35 = arith.mulf %get3A_4, %convert_element_type3A_34 : vector<4x128x128xf32>
      %reduce_sum3A = arith.constant dense<0.000000e+00> : vector<4x128xf32>
      %reduce_sum3A_36 = vector.multi_reduction <add>, %mul3A_35, %reduce_sum3A [2] : vector<4x128x128xf32> to vector<4x128xf32>
      %reduce_sum3A_37 = arith.constant dense<0.000000e+00> : vector<4xf32>
      %reduce_sum3A_38 = vector.multi_reduction <add>, %reduce_sum3A_36, %reduce_sum3A_37 [1] : vector<4x128xf32> to vector<4xf32>
      %mul3A_39 = arith.mulf %get3A_10, %convert_element_type3A_34 : vector<4x128x128xf32>
      %reduce_sum3A_40 = arith.constant dense<0.000000e+00> : vector<4x128xf32>
      %reduce_sum3A_41 = vector.multi_reduction <add>, %mul3A_39, %reduce_sum3A_40 [2] : vector<4x128x128xf32> to vector<4x128xf32>
      %reduce_sum3A_42 = arith.constant dense<0.000000e+00> : vector<4xf32>
      %reduce_sum3A_43 = vector.multi_reduction <add>, %reduce_sum3A_41, %reduce_sum3A_42 [1] : vector<4x128xf32> to vector<4xf32>
      %mul3A_44 = arith.mulf %get3A_16, %convert_element_type3A_34 : vector<4x128x128xf32>
      %reduce_sum3A_45 = arith.constant dense<0.000000e+00> : vector<4x128xf32>
      %reduce_sum3A_46 = vector.multi_reduction <add>, %mul3A_44, %reduce_sum3A_45 [2] : vector<4x128x128xf32> to vector<4x128xf32>
      %reduce_sum3A_47 = arith.constant dense<0.000000e+00> : vector<4xf32>
      %reduce_sum3A_48 = vector.multi_reduction <add>, %reduce_sum3A_46, %reduce_sum3A_47 [1] : vector<4x128xf32> to vector<4xf32>
      %slice3A = vector.extract_strided_slice %scan3A_30 {offsets = [0], sizes = [1], strides = [1]} : vector<4xf32> to vector<1xf32>
      %squeeze3A = vector.extract %slice3A[0] : f32 from vector<1xf32>
      %convert_element_type3A_49 = arith.fptosi %squeeze3A : f32 to i32
      %broadcast_in_dim3A_50 = vector.broadcast %convert_element_type3A_49 : i32 to vector<1x1xi32>
      %swap3A = arith.constant 0 : index
      %swap3A_51 = arith.index_cast %scan3A_28 : i32 to index
      %swap3A_52 = arith.constant 0 : index
      %swap3A_53 = vector.load %arg1[%swap3A, %swap3A_51, %swap3A_52] : memref<4x512x1xi32, #tpu.memory_space<vmem>>, vector<1x1x1xi32>
      %swap3A_54 = vector.shape_cast %swap3A_53 : vector<1x1x1xi32> to vector<1x1xi32>
      %swap3A_55 = vector.shape_cast %broadcast_in_dim3A_50 : vector<1x1xi32> to vector<1x1x1xi32>
      tpu.vector_store %arg1[%swap3A, %swap3A_51, %swap3A_52], %swap3A_55 {strides = array<i32>} : memref<4x512x1xi32, #tpu.memory_space<vmem>>, vector<1x1x1xi32>,
      %slice3A_56 = vector.extract_strided_slice %reduce_sum3A_38 {offsets = [0], sizes = [1], strides = [1]} : vector<4xf32> to vector<1xf32>
      %squeeze3A_57 = vector.extract %slice3A_56[0] : f32 from vector<1xf32>
      %broadcast_in_dim3A_58 = vector.broadcast %squeeze3A_57 : f32 to vector<1x1xf32>
      %swap3A_59 = arith.constant 0 : index
      %swap3A_60 = arith.index_cast %scan3A_28 : i32 to index
      %swap3A_61 = arith.constant 0 : index
      %swap3A_62 = vector.load %arg2[%swap3A_59, %swap3A_60, %swap3A_61] : memref<4x512x1xf32, #tpu.memory_space<vmem>>, vector<1x1x1xf32>
      %swap3A_63 = vector.shape_cast %swap3A_62 : vector<1x1x1xf32> to vector<1x1xf32>
      %swap3A_64 = vector.shape_cast %broadcast_in_dim3A_58 : vector<1x1xf32> to vector<1x1x1xf32>
      tpu.vector_store %arg2[%swap3A_59, %swap3A_60, %swap3A_61], %swap3A_64 {strides = array<i32>} : memref<4x512x1xf32, #tpu.memory_space<vmem>>, vector<1x1x1xf32>,
      %slice3A_65 = vector.extract_strided_slice %reduce_sum3A_43 {offsets = [0], sizes = [1], strides = [1]} : vector<4xf32> to vector<1xf32>
      %squeeze3A_66 = vector.extract %slice3A_65[0] : f32 from vector<1xf32>
      %broadcast_in_dim3A_67 = vector.broadcast %squeeze3A_66 : f32 to vector<1x1xf32>
      %swap3A_68 = arith.constant 0 : index
      %swap3A_69 = arith.index_cast %scan3A_28 : i32 to index
      %swap3A_70 = arith.constant 0 : index
      %swap3A_71 = vector.load %arg3[%swap3A_68, %swap3A_69, %swap3A_70] : memref<4x512x1xf32, #tpu.memory_space<vmem>>, vector<1x1x1xf32>
      %swap3A_72 = vector.shape_cast %swap3A_71 : vector<1x1x1xf32> to vector<1x1xf32>
      %swap3A_73 = vector.shape_cast %broadcast_in_dim3A_67 : vector<1x1xf32> to vector<1x1x1xf32>
      tpu.vector_store %arg3[%swap3A_68, %swap3A_69, %swap3A_70], %swap3A_73 {strides = array<i32>} : memref<4x512x1xf32, #tpu.memory_space<vmem>>, vector<1x1x1xf32>,
      %slice3A_74 = vector.extract_strided_slice %reduce_sum3A_48 {offsets = [0], sizes = [1], strides = [1]} : vector<4xf32> to vector<1xf32>
      %squeeze3A_75 = vector.extract %slice3A_74[0] : f32 from vector<1xf32>
      %broadcast_in_dim3A_76 = vector.broadcast %squeeze3A_75 : f32 to vector<1x1xf32>
      %swap3A_77 = arith.constant 0 : index
      %swap3A_78 = arith.index_cast %scan3A_28 : i32 to index
      %swap3A_79 = arith.constant 0 : index
      %swap3A_80 = vector.load %arg4[%swap3A_77, %swap3A_78, %swap3A_79] : memref<4x512x1xf32, #tpu.memory_space<vmem>>, vector<1x1x1xf32>
      %swap3A_81 = vector.shape_cast %swap3A_80 : vector<1x1x1xf32> to vector<1x1xf32>
      %swap3A_82 = vector.shape_cast %broadcast_in_dim3A_76 : vector<1x1xf32> to vector<1x1x1xf32>
      tpu.vector_store %arg4[%swap3A_77, %swap3A_78, %swap3A_79], %swap3A_82 {strides = array<i32>} : memref<4x512x1xf32, #tpu.memory_space<vmem>>, vector<1x1x1xf32>,
      %slice3A_83 = vector.extract_strided_slice %scan3A_30 {offsets = [1], sizes = [1], strides = [1]} : vector<4xf32> to vector<1xf32>
      %squeeze3A_84 = vector.extract %slice3A_83[0] : f32 from vector<1xf32>
      %convert_element_type3A_85 = arith.fptosi %squeeze3A_84 : f32 to i32
      %broadcast_in_dim3A_86 = vector.broadcast %convert_element_type3A_85 : i32 to vector<1x1xi32>
      %swap3A_87 = arith.constant 1 : index
      %swap3A_88 = arith.index_cast %scan3A_28 : i32 to index
      %swap3A_89 = arith.constant 0 : index
      %swap3A_90 = vector.load %arg1[%swap3A_87, %swap3A_88, %swap3A_89] : memref<4x512x1xi32, #tpu.memory_space<vmem>>, vector<1x1x1xi32>
      %swap3A_91 = vector.shape_cast %swap3A_90 : vector<1x1x1xi32> to vector<1x1xi32>
      %swap3A_92 = vector.shape_cast %broadcast_in_dim3A_86 : vector<1x1xi32> to vector<1x1x1xi32>
      tpu.vector_store %arg1[%swap3A_87, %swap3A_88, %swap3A_89], %swap3A_92 {strides = array<i32>} : memref<4x512x1xi32, #tpu.memory_space<vmem>>, vector<1x1x1xi32>,
      %slice3A_93 = vector.extract_strided_slice %reduce_sum3A_38 {offsets = [1], sizes = [1], strides = [1]} : vector<4xf32> to vector<1xf32>
      %squeeze3A_94 = vector.extract %slice3A_93[0] : f32 from vector<1xf32>
      %broadcast_in_dim3A_95 = vector.broadcast %squeeze3A_94 : f32 to vector<1x1xf32>
      %swap3A_96 = arith.constant 1 : index
      %swap3A_97 = arith.index_cast %scan3A_28 : i32 to index
      %swap3A_98 = arith.constant 0 : index
      %swap3A_99 = vector.load %arg2[%swap3A_96, %swap3A_97, %swap3A_98] : memref<4x512x1xf32, #tpu.memory_space<vmem>>, vector<1x1x1xf32>
      %swap3A_100 = vector.shape_cast %swap3A_99 : vector<1x1x1xf32> to vector<1x1xf32>
      %swap3A_101 = vector.shape_cast %broadcast_in_dim3A_95 : vector<1x1xf32> to vector<1x1x1xf32>
      tpu.vector_store %arg2[%swap3A_96, %swap3A_97, %swap3A_98], %swap3A_101 {strides = array<i32>} : memref<4x512x1xf32, #tpu.memory_space<vmem>>, vector<1x1x1xf32>,
      %slice3A_102 = vector.extract_strided_slice %reduce_sum3A_43 {offsets = [1], sizes = [1], strides = [1]} : vector<4xf32> to vector<1xf32>
      %squeeze3A_103 = vector.extract %slice3A_102[0] : f32 from vector<1xf32>
      %broadcast_in_dim3A_104 = vector.broadcast %squeeze3A_103 : f32 to vector<1x1xf32>
      %swap3A_105 = arith.constant 1 : index
      %swap3A_106 = arith.index_cast %scan3A_28 : i32 to index
      %swap3A_107 = arith.constant 0 : index
      %swap3A_108 = vector.load %arg3[%swap3A_105, %swap3A_106, %swap3A_107] : memref<4x512x1xf32, #tpu.memory_space<vmem>>, vector<1x1x1xf32>
      %swap3A_109 = vector.shape_cast %swap3A_108 : vector<1x1x1xf32> to vector<1x1xf32>
      %swap3A_110 = vector.shape_cast %broadcast_in_dim3A_104 : vector<1x1xf32> to vector<1x1x1xf32>
      tpu.vector_store %arg3[%swap3A_105, %swap3A_106, %swap3A_107], %swap3A_110 {strides = array<i32>} : memref<4x512x1xf32, #tpu.memory_space<vmem>>, vector<1x1x1xf32>,
      %slice3A_111 = vector.extract_strided_slice %reduce_sum3A_48 {offsets = [1], sizes = [1], strides = [1]} : vector<4xf32> to vector<1xf32>
      %squeeze3A_112 = vector.extract %slice3A_111[0] : f32 from vector<1xf32>
      %broadcast_in_dim3A_113 = vector.broadcast %squeeze3A_112 : f32 to vector<1x1xf32>
      %swap3A_114 = arith.constant 1 : index
      %swap3A_115 = arith.index_cast %scan3A_28 : i32 to index
      %swap3A_116 = arith.constant 0 : index
      %swap3A_117 = vector.load %arg4[%swap3A_114, %swap3A_115, %swap3A_116] : memref<4x512x1xf32, #tpu.memory_space<vmem>>, vector<1x1x1xf32>
      %swap3A_118 = vector.shape_cast %swap3A_117 : vector<1x1x1xf32> to vector<1x1xf32>
      %swap3A_119 = vector.shape_cast %broadcast_in_dim3A_113 : vector<1x1xf32> to vector<1x1x1xf32>
      tpu.vector_store %arg4[%swap3A_114, %swap3A_115, %swap3A_116], %swap3A_119 {strides = array<i32>} : memref<4x512x1xf32, #tpu.memory_space<vmem>>, vector<1x1x1xf32>,
      %slice3A_120 = vector.extract_strided_slice %scan3A_30 {offsets = [2], sizes = [1], strides = [1]} : vector<4xf32> to vector<1xf32>
      %squeeze3A_121 = vector.extract %slice3A_120[0] : f32 from vector<1xf32>
      %convert_element_type3A_122 = arith.fptosi %squeeze3A_121 : f32 to i32
      %broadcast_in_dim3A_123 = vector.broadcast %convert_element_type3A_122 : i32 to vector<1x1xi32>
      %swap3A_124 = arith.constant 2 : index
      %swap3A_125 = arith.index_cast %scan3A_28 : i32 to index
      %swap3A_126 = arith.constant 0 : index
      %swap3A_127 = vector.load %arg1[%swap3A_124, %swap3A_125, %swap3A_126] : memref<4x512x1xi32, #tpu.memory_space<vmem>>, vector<1x1x1xi32>
      %swap3A_128 = vector.shape_cast %swap3A_127 : vector<1x1x1xi32> to vector<1x1xi32>
      %swap3A_129 = vector.shape_cast %broadcast_in_dim3A_123 : vector<1x1xi32> to vector<1x1x1xi32>
      tpu.vector_store %arg1[%swap3A_124, %swap3A_125, %swap3A_126], %swap3A_129 {strides = array<i32>} : memref<4x512x1xi32, #tpu.memory_space<vmem>>, vector<1x1x1xi32>,
      %slice3A_130 = vector.extract_strided_slice %reduce_sum3A_38 {offsets = [2], sizes = [1], strides = [1]} : vector<4xf32> to vector<1xf32>
      %squeeze3A_131 = vector.extract %slice3A_130[0] : f32 from vector<1xf32>
      %broadcast_in_dim3A_132 = vector.broadcast %squeeze3A_131 : f32 to vector<1x1xf32>
      %swap3A_133 = arith.constant 2 : index
      %swap3A_134 = arith.index_cast %scan3A_28 : i32 to index
      %swap3A_135 = arith.constant 0 : index
      %swap3A_136 = vector.load %arg2[%swap3A_133, %swap3A_134, %swap3A_135] : memref<4x512x1xf32, #tpu.memory_space<vmem>>, vector<1x1x1xf32>
      %swap3A_137 = vector.shape_cast %swap3A_136 : vector<1x1x1xf32> to vector<1x1xf32>
      %swap3A_138 = vector.shape_cast %broadcast_in_dim3A_132 : vector<1x1xf32> to vector<1x1x1xf32>
      tpu.vector_store %arg2[%swap3A_133, %swap3A_134, %swap3A_135], %swap3A_138 {strides = array<i32>} : memref<4x512x1xf32, #tpu.memory_space<vmem>>, vector<1x1x1xf32>,
      %slice3A_139 = vector.extract_strided_slice %reduce_sum3A_43 {offsets = [2], sizes = [1], strides = [1]} : vector<4xf32> to vector<1xf32>
      %squeeze3A_140 = vector.extract %slice3A_139[0] : f32 from vector<1xf32>
      %broadcast_in_dim3A_141 = vector.broadcast %squeeze3A_140 : f32 to vector<1x1xf32>
      %swap3A_142 = arith.constant 2 : index
      %swap3A_143 = arith.index_cast %scan3A_28 : i32 to index
      %swap3A_144 = arith.constant 0 : index
      %swap3A_145 = vector.load %arg3[%swap3A_142, %swap3A_143, %swap3A_144] : memref<4x512x1xf32, #tpu.memory_space<vmem>>, vector<1x1x1xf32>
      %swap3A_146 = vector.shape_cast %swap3A_145 : vector<1x1x1xf32> to vector<1x1xf32>
      %swap3A_147 = vector.shape_cast %broadcast_in_dim3A_141 : vector<1x1xf32> to vector<1x1x1xf32>
      tpu.vector_store %arg3[%swap3A_142, %swap3A_143, %swap3A_144], %swap3A_147 {strides = array<i32>} : memref<4x512x1xf32, #tpu.memory_space<vmem>>, vector<1x1x1xf32>,
      %slice3A_148 = vector.extract_strided_slice %reduce_sum3A_48 {offsets = [2], sizes = [1], strides = [1]} : vector<4xf32> to vector<1xf32>
      %squeeze3A_149 = vector.extract %slice3A_148[0] : f32 from vector<1xf32>
      %broadcast_in_dim3A_150 = vector.broadcast %squeeze3A_149 : f32 to vector<1x1xf32>
      %swap3A_151 = arith.constant 2 : index
      %swap3A_152 = arith.index_cast %scan3A_28 : i32 to index
      %swap3A_153 = arith.constant 0 : index
      %swap3A_154 = vector.load %arg4[%swap3A_151, %swap3A_152, %swap3A_153] : memref<4x512x1xf32, #tpu.memory_space<vmem>>, vector<1x1x1xf32>
      %swap3A_155 = vector.shape_cast %swap3A_154 : vector<1x1x1xf32> to vector<1x1xf32>
      %swap3A_156 = vector.shape_cast %broadcast_in_dim3A_150 : vector<1x1xf32> to vector<1x1x1xf32>
      tpu.vector_store %arg4[%swap3A_151, %swap3A_152, %swap3A_153], %swap3A_156 {strides = array<i32>} : memref<4x512x1xf32, #tpu.memory_space<vmem>>, vector<1x1x1xf32>,
      %slice3A_157 = vector.extract_strided_slice %scan3A_30 {offsets = [3], sizes = [1], strides = [1]} : vector<4xf32> to vector<1xf32>
      %squeeze3A_158 = vector.extract %slice3A_157[0] : f32 from vector<1xf32>
      %convert_element_type3A_159 = arith.fptosi %squeeze3A_158 : f32 to i32
      %broadcast_in_dim3A_160 = vector.broadcast %convert_element_type3A_159 : i32 to vector<1x1xi32>
      %swap3A_161 = arith.constant 3 : index
      %swap3A_162 = arith.index_cast %scan3A_28 : i32 to index
      %swap3A_163 = arith.constant 0 : index
      %swap3A_164 = vector.load %arg1[%swap3A_161, %swap3A_162, %swap3A_163] : memref<4x512x1xi32, #tpu.memory_space<vmem>>, vector<1x1x1xi32>
      %swap3A_165 = vector.shape_cast %swap3A_164 : vector<1x1x1xi32> to vector<1x1xi32>
      %swap3A_166 = vector.shape_cast %broadcast_in_dim3A_160 : vector<1x1xi32> to vector<1x1x1xi32>
      tpu.vector_store %arg1[%swap3A_161, %swap3A_162, %swap3A_163], %swap3A_166 {strides = array<i32>} : memref<4x512x1xi32, #tpu.memory_space<vmem>>, vector<1x1x1xi32>,
      %slice3A_167 = vector.extract_strided_slice %reduce_sum3A_38 {offsets = [3], sizes = [1], strides = [1]} : vector<4xf32> to vector<1xf32>
      %squeeze3A_168 = vector.extract %slice3A_167[0] : f32 from vector<1xf32>
      %broadcast_in_dim3A_169 = vector.broadcast %squeeze3A_168 : f32 to vector<1x1xf32>
      %swap3A_170 = arith.constant 3 : index
      %swap3A_171 = arith.index_cast %scan3A_28 : i32 to index
      %swap3A_172 = arith.constant 0 : index
      %swap3A_173 = vector.load %arg2[%swap3A_170, %swap3A_171, %swap3A_172] : memref<4x512x1xf32, #tpu.memory_space<vmem>>, vector<1x1x1xf32>
      %swap3A_174 = vector.shape_cast %swap3A_173 : vector<1x1x1xf32> to vector<1x1xf32>
      %swap3A_175 = vector.shape_cast %broadcast_in_dim3A_169 : vector<1x1xf32> to vector<1x1x1xf32>
      tpu.vector_store %arg2[%swap3A_170, %swap3A_171, %swap3A_172], %swap3A_175 {strides = array<i32>} : memref<4x512x1xf32, #tpu.memory_space<vmem>>, vector<1x1x1xf32>,
      %slice3A_176 = vector.extract_strided_slice %reduce_sum3A_43 {offsets = [3], sizes = [1], strides = [1]} : vector<4xf32> to vector<1xf32>
      %squeeze3A_177 = vector.extract %slice3A_176[0] : f32 from vector<1xf32>
      %broadcast_in_dim3A_178 = vector.broadcast %squeeze3A_177 : f32 to vector<1x1xf32>
      %swap3A_179 = arith.constant 3 : index
      %swap3A_180 = arith.index_cast %scan3A_28 : i32 to index
      %swap3A_181 = arith.constant 0 : index
      %swap3A_182 = vector.load %arg3[%swap3A_179, %swap3A_180, %swap3A_181] : memref<4x512x1xf32, #tpu.memory_space<vmem>>, vector<1x1x1xf32>
      %swap3A_183 = vector.shape_cast %swap3A_182 : vector<1x1x1xf32> to vector<1x1xf32>
      %swap3A_184 = vector.shape_cast %broadcast_in_dim3A_178 : vector<1x1xf32> to vector<1x1x1xf32>
      tpu.vector_store %arg3[%swap3A_179, %swap3A_180, %swap3A_181], %swap3A_184 {strides = array<i32>} : memref<4x512x1xf32, #tpu.memory_space<vmem>>, vector<1x1x1xf32>,
      %slice3A_185 = vector.extract_strided_slice %reduce_sum3A_48 {offsets = [3], sizes = [1], strides = [1]} : vector<4xf32> to vector<1xf32>
      %squeeze3A_186 = vector.extract %slice3A_185[0] : f32 from vector<1xf32>
      %broadcast_in_dim3A_187 = vector.broadcast %squeeze3A_186 : f32 to vector<1x1xf32>
      %swap3A_188 = arith.constant 3 : index
      %swap3A_189 = arith.index_cast %scan3A_28 : i32 to index
      %swap3A_190 = arith.constant 0 : index
      %swap3A_191 = vector.load %arg4[%swap3A_188, %swap3A_189, %swap3A_190] : memref<4x512x1xf32, #tpu.memory_space<vmem>>, vector<1x1x1xf32>
      %swap3A_192 = vector.shape_cast %swap3A_191 : vector<1x1x1xf32> to vector<1x1xf32>
      %swap3A_193 = vector.shape_cast %broadcast_in_dim3A_187 : vector<1x1xf32> to vector<1x1x1xf32>
      tpu.vector_store %arg4[%swap3A_188, %swap3A_189, %swap3A_190], %swap3A_193 {strides = array<i32>} : memref<4x512x1xf32, #tpu.memory_space<vmem>>, vector<1x1x1xf32>,
      %broadcast_in_dim3A_194 = vector.shape_cast %reduce_sum3A_38 : vector<4xf32> to vector<4x1x1xf32>
      %sub3A = vector.broadcast %broadcast_in_dim3A_194 : vector<4x1x1xf32> to vector<4x128x128xf32>
      %sub3A_195 = arith.subf %get3A_4, %sub3A : vector<4x128x128xf32>
      %broadcast_in_dim3A_196 = vector.shape_cast %reduce_sum3A_43 : vector<4xf32> to vector<4x1x1xf32>
      %sub3A_197 = vector.broadcast %broadcast_in_dim3A_196 : vector<4x1x1xf32> to vector<4x128x128xf32>
      %sub3A_198 = arith.subf %get3A_10, %sub3A_197 : vector<4x128x128xf32>
      %broadcast_in_dim3A_199 = vector.shape_cast %reduce_sum3A_48 : vector<4xf32> to vector<4x1x1xf32>
      %sub3A_200 = vector.broadcast %broadcast_in_dim3A_199 : vector<4x1x1xf32> to vector<4x128x128xf32>
      %sub3A_201 = arith.subf %get3A_16, %sub3A_200 : vector<4x128x128xf32>
      %mul3A_202 = arith.mulf %sub3A_195, %sub3A_195 : vector<4x128x128xf32>
      %mul3A_203 = arith.mulf %sub3A_198, %sub3A_198 : vector<4x128x128xf32>
      %add3A_204 = arith.addf %mul3A_202, %mul3A_203 : vector<4x128x128xf32>
      %mul3A_205 = arith.mulf %sub3A_201, %sub3A_201 : vector<4x128x128xf32>
      %add3A_206 = arith.addf %add3A_204, %mul3A_205 : vector<4x128x128xf32>
      %min3A = arith.minimumf %scan3A_29, %add3A_206 : vector<4x128x128xf32>
      %reduce_max3A = arith.constant dense<0xFF800000> : vector<4x128xf32>
      %reduce_max3A_207 = vector.multi_reduction <maximumf>, %min3A, %reduce_max3A [2] : vector<4x128x128xf32> to vector<4x128xf32>
      %reduce_max3A_208 = arith.constant dense<0xFF800000> : vector<4xf32>
      %reduce_max3A_209 = vector.multi_reduction <maximumf>, %reduce_max3A_207, %reduce_max3A_208 [1] : vector<4x128xf32> to vector<4xf32>
      %broadcast_in_dim3A_210 = vector.shape_cast %reduce_max3A_209 : vector<4xf32> to vector<4x1x1xf32>
      %eq3A_211 = vector.broadcast %broadcast_in_dim3A_210 : vector<4x1x1xf32> to vector<4x128x128xf32>
      %eq3A_212 = arith.cmpf oeq, %min3A, %eq3A_211 : vector<4x128x128xf32>
      %jit3A = arith.constant 1.07374182E+9 : f32
      %broadcast_in_dim3A_213 = vector.broadcast %jit3A : f32 to vector<4x128x128xf32>
      %select_n3A = arith.select %eq3A_212, %convert_element_type3A, %broadcast_in_dim3A_213 : vector<4x128x128xi1>, vector<4x128x128xf32>
      %reduce_min3A = arith.constant dense<0x7F800000> : vector<4x128xf32>
      %reduce_min3A_214 = vector.multi_reduction <minimumf>, %select_n3A, %reduce_min3A [2] : vector<4x128x128xf32> to vector<4x128xf32>
      %reduce_min3A_215 = arith.constant dense<0x7F800000> : vector<4xf32>
      %reduce_min3A_216 = vector.multi_reduction <minimumf>, %reduce_min3A_214, %reduce_min3A_215 [1] : vector<4x128xf32> to vector<4xf32>
      scf.yield %min3A, %reduce_min3A_216 : vector<4x128x128xf32>, vector<4xf32>
    }
    %scan3A_27 = arith.constant 512 : i32
    return
  }
}

module attributes {stable_mosaic.version = 14 : i64} {
  func.func @_thresh_body(%arg0: i32, %arg1: i32, %arg2: memref<1x128x8xf32, #tpu.memory_space<vmem>>, %arg3: memref<1x8x16384xf32, #tpu.memory_space<vmem>>, %arg4: memref<1x128x1xf32, #tpu.memory_space<vmem>>, %arg5: memref<1x1x1xf32, #tpu.memory_space<vmem>>, %arg6: memref<1x1x16384xf32, #tpu.memory_space<vmem>>, %arg7: memref<1x128x1xf32, #tpu.memory_space<vmem>>) attributes {dimension_semantics = [#tpu.dimension_semantics<arbitrary>, #tpu.dimension_semantics<arbitrary>], iteration_bounds = array<i64: 4, 4>, scalar_prefetch = 0 : i64, scratch_operands = 0 : i64, tpu.core_type = #tpu.core_type<tc>, window_params = [{transform_indices = @transform_0, window_bounds = array<i64: 1, 128, 8>}, {transform_indices = @transform_1, window_bounds = array<i64: 1, 8, 16384>}, {transform_indices = @transform_2, window_bounds = array<i64: 1, 128, 1>}, {transform_indices = @transform_3, window_bounds = array<i64: 1, 1, 1>}, {transform_indices = @transform_4, window_bounds = array<i64: 1, 1, 16384>}, {transform_indices = @transform_5, window_bounds = array<i64: 1, 128, 1>}]} {
    %get3A = arith.constant 0 : index
    %get3A_0 = arith.constant 0 : index
    %get3A_1 = arith.constant 0 : index
    %get3A_2 = vector.load %arg2[%get3A, %get3A_0, %get3A_1] : memref<1x128x8xf32, #tpu.memory_space<vmem>>, vector<1x128x8xf32>
    %get3A_3 = vector.shape_cast %get3A_2 : vector<1x128x8xf32> to vector<128x8xf32>
    %get3A_4 = arith.constant 0 : index
    %get3A_5 = arith.constant 0 : index
    %get3A_6 = arith.constant 0 : index
    %get3A_7 = vector.load %arg3[%get3A_4, %get3A_5, %get3A_6] : memref<1x8x16384xf32, #tpu.memory_space<vmem>>, vector<1x8x16384xf32>
    %get3A_8 = vector.shape_cast %get3A_7 : vector<1x8x16384xf32> to vector<8x16384xf32>
    %dot_general3A = arith.constant dense<0.000000e+00> : vector<128x16384xf32>
    %dot_general3A_9 = tpu.matmul %get3A_3, %get3A_8, %dot_general3A {dimension_numbers = #tpu.dot_dimension_numbers<[1], [0], [0], [1], [0, 0, 1, 1], [], []>, transpose_lhs_hint = false} : vector<128x8xf32>, vector<8x16384xf32>, vector<128x16384xf32> -> vector<128x16384xf32>
    %get3A_10 = arith.constant 0 : index
    %get3A_11 = arith.constant 0 : index
    %get3A_12 = arith.constant 0 : index
    %get3A_13 = vector.load %arg4[%get3A_10, %get3A_11, %get3A_12] : memref<1x128x1xf32, #tpu.memory_space<vmem>>, vector<1x128x1xf32>
    %get3A_14 = vector.shape_cast %get3A_13 : vector<1x128x1xf32> to vector<128x1xf32>
    %add3A = vector.broadcast %get3A_14 : vector<128x1xf32> to vector<128x16384xf32>
    %add3A_15 = arith.addf %dot_general3A_9, %add3A : vector<128x16384xf32>
    %get3A_16 = arith.constant 0 : index
    %get3A_17 = arith.constant 0 : index
    %get3A_18 = arith.constant 0 : index
    %get3A_19 = vector.load %arg6[%get3A_16, %get3A_17, %get3A_18] : memref<1x1x16384xf32, #tpu.memory_space<vmem>>, vector<1x1x16384xf32>
    %get3A_20 = vector.shape_cast %get3A_19 : vector<1x1x16384xf32> to vector<1x16384xf32>
    %add3A_21 = vector.broadcast %get3A_20 : vector<1x16384xf32> to vector<128x16384xf32>
    %add3A_22 = arith.addf %add3A_15, %add3A_21 : vector<128x16384xf32>
    %max3A = arith.constant 0.000000e+00 : f32
    %max3A_23 = vector.broadcast %max3A : f32 to vector<128x16384xf32>
    %max3A_24 = arith.maximumf %add3A_22, %max3A_23 : vector<128x16384xf32>
    %slice3A = vector.extract_strided_slice %max3A_24 {offsets = [0, 0], sizes = [128, 512], strides = [1, 1]} : vector<128x16384xf32> to vector<128x512xf32>
    %slice3A_25 = vector.extract_strided_slice %max3A_24 {offsets = [0, 512], sizes = [128, 512], strides = [1, 1]} : vector<128x16384xf32> to vector<128x512xf32>
    %min3A = arith.minimumf %slice3A, %slice3A_25 : vector<128x512xf32>
    %slice3A_26 = vector.extract_strided_slice %max3A_24 {offsets = [0, 1024], sizes = [128, 512], strides = [1, 1]} : vector<128x16384xf32> to vector<128x512xf32>
    %min3A_27 = arith.minimumf %min3A, %slice3A_26 : vector<128x512xf32>
    %slice3A_28 = vector.extract_strided_slice %max3A_24 {offsets = [0, 1536], sizes = [128, 512], strides = [1, 1]} : vector<128x16384xf32> to vector<128x512xf32>
    %min3A_29 = arith.minimumf %min3A_27, %slice3A_28 : vector<128x512xf32>
    %slice3A_30 = vector.extract_strided_slice %max3A_24 {offsets = [0, 2048], sizes = [128, 512], strides = [1, 1]} : vector<128x16384xf32> to vector<128x512xf32>
    %min3A_31 = arith.minimumf %min3A_29, %slice3A_30 : vector<128x512xf32>
    %slice3A_32 = vector.extract_strided_slice %max3A_24 {offsets = [0, 2560], sizes = [128, 512], strides = [1, 1]} : vector<128x16384xf32> to vector<128x512xf32>
    %min3A_33 = arith.minimumf %min3A_31, %slice3A_32 : vector<128x512xf32>
    %slice3A_34 = vector.extract_strided_slice %max3A_24 {offsets = [0, 3072], sizes = [128, 512], strides = [1, 1]} : vector<128x16384xf32> to vector<128x512xf32>
    %min3A_35 = arith.minimumf %min3A_33, %slice3A_34 : vector<128x512xf32>
    %slice3A_36 = vector.extract_strided_slice %max3A_24 {offsets = [0, 3584], sizes = [128, 512], strides = [1, 1]} : vector<128x16384xf32> to vector<128x512xf32>
    %min3A_37 = arith.minimumf %min3A_35, %slice3A_36 : vector<128x512xf32>
    %slice3A_38 = vector.extract_strided_slice %max3A_24 {offsets = [0, 4096], sizes = [128, 512], strides = [1, 1]} : vector<128x16384xf32> to vector<128x512xf32>
    %min3A_39 = arith.minimumf %min3A_37, %slice3A_38 : vector<128x512xf32>
    %slice3A_40 = vector.extract_strided_slice %max3A_24 {offsets = [0, 4608], sizes = [128, 512], strides = [1, 1]} : vector<128x16384xf32> to vector<128x512xf32>
    %min3A_41 = arith.minimumf %min3A_39, %slice3A_40 : vector<128x512xf32>
    %slice3A_42 = vector.extract_strided_slice %max3A_24 {offsets = [0, 5120], sizes = [128, 512], strides = [1, 1]} : vector<128x16384xf32> to vector<128x512xf32>
    %min3A_43 = arith.minimumf %min3A_41, %slice3A_42 : vector<128x512xf32>
    %slice3A_44 = vector.extract_strided_slice %max3A_24 {offsets = [0, 5632], sizes = [128, 512], strides = [1, 1]} : vector<128x16384xf32> to vector<128x512xf32>
    %min3A_45 = arith.minimumf %min3A_43, %slice3A_44 : vector<128x512xf32>
    %slice3A_46 = vector.extract_strided_slice %max3A_24 {offsets = [0, 6144], sizes = [128, 512], strides = [1, 1]} : vector<128x16384xf32> to vector<128x512xf32>
    %min3A_47 = arith.minimumf %min3A_45, %slice3A_46 : vector<128x512xf32>
    %slice3A_48 = vector.extract_strided_slice %max3A_24 {offsets = [0, 6656], sizes = [128, 512], strides = [1, 1]} : vector<128x16384xf32> to vector<128x512xf32>
    %min3A_49 = arith.minimumf %min3A_47, %slice3A_48 : vector<128x512xf32>
    %slice3A_50 = vector.extract_strided_slice %max3A_24 {offsets = [0, 7168], sizes = [128, 512], strides = [1, 1]} : vector<128x16384xf32> to vector<128x512xf32>
    %min3A_51 = arith.minimumf %min3A_49, %slice3A_50 : vector<128x512xf32>
    %slice3A_52 = vector.extract_strided_slice %max3A_24 {offsets = [0, 7680], sizes = [128, 512], strides = [1, 1]} : vector<128x16384xf32> to vector<128x512xf32>
    %min3A_53 = arith.minimumf %min3A_51, %slice3A_52 : vector<128x512xf32>
    %slice3A_54 = vector.extract_strided_slice %max3A_24 {offsets = [0, 8192], sizes = [128, 512], strides = [1, 1]} : vector<128x16384xf32> to vector<128x512xf32>
    %min3A_55 = arith.minimumf %min3A_53, %slice3A_54 : vector<128x512xf32>
    %slice3A_56 = vector.extract_strided_slice %max3A_24 {offsets = [0, 8704], sizes = [128, 512], strides = [1, 1]} : vector<128x16384xf32> to vector<128x512xf32>
    %min3A_57 = arith.minimumf %min3A_55, %slice3A_56 : vector<128x512xf32>
    %slice3A_58 = vector.extract_strided_slice %max3A_24 {offsets = [0, 9216], sizes = [128, 512], strides = [1, 1]} : vector<128x16384xf32> to vector<128x512xf32>
    %min3A_59 = arith.minimumf %min3A_57, %slice3A_58 : vector<128x512xf32>
    %slice3A_60 = vector.extract_strided_slice %max3A_24 {offsets = [0, 9728], sizes = [128, 512], strides = [1, 1]} : vector<128x16384xf32> to vector<128x512xf32>
    %min3A_61 = arith.minimumf %min3A_59, %slice3A_60 : vector<128x512xf32>
    %slice3A_62 = vector.extract_strided_slice %max3A_24 {offsets = [0, 10240], sizes = [128, 512], strides = [1, 1]} : vector<128x16384xf32> to vector<128x512xf32>
    %min3A_63 = arith.minimumf %min3A_61, %slice3A_62 : vector<128x512xf32>
    %slice3A_64 = vector.extract_strided_slice %max3A_24 {offsets = [0, 10752], sizes = [128, 512], strides = [1, 1]} : vector<128x16384xf32> to vector<128x512xf32>
    %min3A_65 = arith.minimumf %min3A_63, %slice3A_64 : vector<128x512xf32>
    %slice3A_66 = vector.extract_strided_slice %max3A_24 {offsets = [0, 11264], sizes = [128, 512], strides = [1, 1]} : vector<128x16384xf32> to vector<128x512xf32>
    %min3A_67 = arith.minimumf %min3A_65, %slice3A_66 : vector<128x512xf32>
    %slice3A_68 = vector.extract_strided_slice %max3A_24 {offsets = [0, 11776], sizes = [128, 512], strides = [1, 1]} : vector<128x16384xf32> to vector<128x512xf32>
    %min3A_69 = arith.minimumf %min3A_67, %slice3A_68 : vector<128x512xf32>
    %slice3A_70 = vector.extract_strided_slice %max3A_24 {offsets = [0, 12288], sizes = [128, 512], strides = [1, 1]} : vector<128x16384xf32> to vector<128x512xf32>
    %min3A_71 = arith.minimumf %min3A_69, %slice3A_70 : vector<128x512xf32>
    %slice3A_72 = vector.extract_strided_slice %max3A_24 {offsets = [0, 12800], sizes = [128, 512], strides = [1, 1]} : vector<128x16384xf32> to vector<128x512xf32>
    %min3A_73 = arith.minimumf %min3A_71, %slice3A_72 : vector<128x512xf32>
    %slice3A_74 = vector.extract_strided_slice %max3A_24 {offsets = [0, 13312], sizes = [128, 512], strides = [1, 1]} : vector<128x16384xf32> to vector<128x512xf32>
    %min3A_75 = arith.minimumf %min3A_73, %slice3A_74 : vector<128x512xf32>
    %slice3A_76 = vector.extract_strided_slice %max3A_24 {offsets = [0, 13824], sizes = [128, 512], strides = [1, 1]} : vector<128x16384xf32> to vector<128x512xf32>
    %min3A_77 = arith.minimumf %min3A_75, %slice3A_76 : vector<128x512xf32>
    %slice3A_78 = vector.extract_strided_slice %max3A_24 {offsets = [0, 14336], sizes = [128, 512], strides = [1, 1]} : vector<128x16384xf32> to vector<128x512xf32>
    %min3A_79 = arith.minimumf %min3A_77, %slice3A_78 : vector<128x512xf32>
    %slice3A_80 = vector.extract_strided_slice %max3A_24 {offsets = [0, 14848], sizes = [128, 512], strides = [1, 1]} : vector<128x16384xf32> to vector<128x512xf32>
    %min3A_81 = arith.minimumf %min3A_79, %slice3A_80 : vector<128x512xf32>
    %slice3A_82 = vector.extract_strided_slice %max3A_24 {offsets = [0, 15360], sizes = [128, 512], strides = [1, 1]} : vector<128x16384xf32> to vector<128x512xf32>
    %min3A_83 = arith.minimumf %min3A_81, %slice3A_82 : vector<128x512xf32>
    %slice3A_84 = vector.extract_strided_slice %max3A_24 {offsets = [0, 15872], sizes = [128, 512], strides = [1, 1]} : vector<128x16384xf32> to vector<128x512xf32>
    %min3A_85 = arith.minimumf %min3A_83, %slice3A_84 : vector<128x512xf32>
    %bitcast_convert_type3A = tpu.bitcast %min3A_85 : vector<128x512xf32> -> vector<128x512xi32>
    %broadcast_in_dim3A = arith.constant -1 : i32
    %broadcast_in_dim3A_86 = vector.broadcast %broadcast_in_dim3A : i32 to vector<128x1xi32>
    %reduce_max3A = arith.constant dense<-2147483648> : vector<128xi32>
    %reduce_max3A_87 = vector.multi_reduction <maxsi>, %bitcast_convert_type3A, %reduce_max3A [1] : vector<128x512xi32> to vector<128xi32>
    %broadcast_in_dim3A_88 = vector.shape_cast %reduce_max3A_87 : vector<128xi32> to vector<128x1xi32>
    %scan3A = arith.constant 0 : i32
    %scan3A_89 = arith.constant 31 : i32
    %scan3A_90 = arith.addi %scan3A, %scan3A_89 : i32
    %scan3A_91 = arith.constant 1 : i32
    %scan3A_92:2 = scf.for %scan3A_114 = %scan3A to %scan3A_90 step %scan3A_91 iter_args(%scan3A_115 = %broadcast_in_dim3A_86, %scan3A_116 = %broadcast_in_dim3A_88) -> (vector<128x1xi32>, vector<128x1xi32>)  : i32 {
      %sub3A = arith.subi %scan3A_116, %scan3A_115 : vector<128x1xi32>
      %shift_right_arithmetic3A = arith.constant 1 : i32
      %shift_right_arithmetic3A_117 = vector.broadcast %shift_right_arithmetic3A : i32 to vector<128x1xi32>
      %shift_right_arithmetic3A_118 = arith.shrsi %sub3A, %shift_right_arithmetic3A_117 : vector<128x1xi32>
      %add3A_119 = arith.addi %scan3A_115, %shift_right_arithmetic3A_118 : vector<128x1xi32>
      %le3A = vector.broadcast %add3A_119 : vector<128x1xi32> to vector<128x512xi32>
      %le3A_120 = arith.cmpi sle, %bitcast_convert_type3A, %le3A : vector<128x512xi32>
      %convert_element_type3A = arith.extui %le3A_120 : vector<128x512xi1> to vector<128x512xi32>
      %convert_element_type3A_121 = arith.sitofp %convert_element_type3A : vector<128x512xi32> to vector<128x512xf32>
      %reduce_sum3A = arith.constant dense<0.000000e+00> : vector<128xf32>
      %reduce_sum3A_122 = vector.multi_reduction <add>, %convert_element_type3A_121, %reduce_sum3A [1] : vector<128x512xf32> to vector<128xf32>
      %broadcast_in_dim3A_123 = vector.shape_cast %reduce_sum3A_122 : vector<128xf32> to vector<128x1xf32>
      %ge3A = arith.constant 3.300000e+01 : f32
      %ge3A_124 = vector.broadcast %ge3A : f32 to vector<128x1xf32>
      %ge3A_125 = arith.cmpf oge, %broadcast_in_dim3A_123, %ge3A_124 : vector<128x1xf32>
      %select_n3A = arith.select %ge3A_125, %scan3A_115, %add3A_119 : vector<128x1xi1>, vector<128x1xi32>
      %select_n3A_126 = arith.select %ge3A_125, %add3A_119, %scan3A_116 : vector<128x1xi1>, vector<128x1xi32>
      scf.yield %select_n3A, %select_n3A_126 : vector<128x1xi32>, vector<128x1xi32>
    }
    %bitcast_convert_type3A_93 = tpu.bitcast %scan3A_92#1 : vector<128x1xi32> -> vector<128x1xf32>
    %get3A_94 = arith.constant 0 : index
    %get3A_95 = arith.constant 0 : index
    %get3A_96 = arith.constant 0 : index
    %get3A_97 = vector.load %arg4[%get3A_94, %get3A_95, %get3A_96] : memref<1x128x1xf32, #tpu.memory_space<vmem>>, vector<1x128x1xf32>
    %get3A_98 = vector.shape_cast %get3A_97 : vector<1x128x1xf32> to vector<128x1xf32>
    %get3A_99 = arith.constant 0 : index
    %get3A_100 = arith.constant 0 : index
    %get3A_101 = arith.constant 0 : index
    %get3A_102 = vector.load %arg5[%get3A_99, %get3A_100, %get3A_101] : memref<1x1x1xf32, #tpu.memory_space<vmem>>, vector<1x1x1xf32>
    %get3A_103 = vector.shape_cast %get3A_102 : vector<1x1x1xf32> to vector<1x1xf32>
    %add3A_104 = vector.broadcast %get3A_103 : vector<1x1xf32> to vector<128x1xf32>
    %add3A_105 = arith.addf %get3A_98, %add3A_104 : vector<128x1xf32>
    %mul3A = arith.constant 4.000000e-06 : f32
    %mul3A_106 = vector.broadcast %mul3A : f32 to vector<128x1xf32>
    %mul3A_107 = arith.mulf %mul3A_106, %add3A_105 : vector<128x1xf32>
    %add3A_108 = arith.addf %bitcast_convert_type3A_93, %mul3A_107 : vector<128x1xf32>
    %swap3A = arith.constant 0 : index
    %swap3A_109 = arith.constant 0 : index
    %swap3A_110 = arith.constant 0 : index
    %swap3A_111 = vector.load %arg7[%swap3A, %swap3A_109, %swap3A_110] : memref<1x128x1xf32, #tpu.memory_space<vmem>>, vector<1x128x1xf32>
    %swap3A_112 = vector.shape_cast %swap3A_111 : vector<1x128x1xf32> to vector<128x1xf32>
    %swap3A_113 = vector.shape_cast %add3A_108 : vector<128x1xf32> to vector<1x128x1xf32>
    tpu.vector_store %arg7[%swap3A, %swap3A_109, %swap3A_110], %swap3A_113 {strides = array<i32>} : memref<1x128x1xf32, #tpu.memory_space<vmem>>, vector<1x128x1xf32>,
    return
  }
  func.func @transform_0(%arg0: i32, %arg1: i32) -> (i32, i32, i32) {
    %c0_i32 = arith.constant 0 : i32
    %c0_i32_0 = arith.constant 0 : i32
    return %arg0, %arg1, %c0_i32 : i32, i32, i32
  }
  func.func @transform_1(%arg0: i32, %arg1: i32) -> (i32, i32, i32) {
    %c0_i32 = arith.constant 0 : i32
    %c0_i32_0 = arith.constant 0 : i32
    %c0_i32_1 = arith.constant 0 : i32
    return %arg0, %c0_i32, %c0_i32_0 : i32, i32, i32
  }
  func.func @transform_2(%arg0: i32, %arg1: i32) -> (i32, i32, i32) {
    %c0_i32 = arith.constant 0 : i32
    %c0_i32_0 = arith.constant 0 : i32
    return %arg0, %arg1, %c0_i32 : i32, i32, i32
  }
  func.func @transform_3(%arg0: i32, %arg1: i32) -> (i32, i32, i32) {
    %c0_i32 = arith.constant 0 : i32
    %c0_i32_0 = arith.constant 0 : i32
    %c0_i32_1 = arith.constant 0 : i32
    return %arg0, %c0_i32, %c0_i32_0 : i32, i32, i32
  }
  func.func @transform_4(%arg0: i32, %arg1: i32) -> (i32, i32, i32) {
    %c0_i32 = arith.constant 0 : i32
    %c0_i32_0 = arith.constant 0 : i32
    %c0_i32_1 = arith.constant 0 : i32
    return %arg0, %c0_i32, %c0_i32_0 : i32, i32, i32
  }
  func.func @transform_5(%arg0: i32, %arg1: i32) -> (i32, i32, i32) {
    %c0_i32 = arith.constant 0 : i32
    %c0_i32_0 = arith.constant 0 : i32
    return %arg0, %arg1, %c0_i32 : i32, i32, i32
  }
}

module attributes {stable_mosaic.version = 14 : i64} {
  func.func @_exact_body(%arg0: i32, %arg1: memref<256x256xf32, #tpu.memory_space<vmem>>, %arg2: memref<256x1xf32, #tpu.memory_space<vmem>>, %arg3: memref<256x1xi32, #tpu.memory_space<vmem>>) attributes {dimension_semantics = [#tpu.dimension_semantics<arbitrary>], iteration_bounds = array<i64: 8>, scalar_prefetch = 0 : i64, scratch_operands = 0 : i64, tpu.core_type = #tpu.core_type<tc>, window_params = [{transform_indices = @transform_0, window_bounds = array<i64: 256, 256>}, {transform_indices = @transform_1, window_bounds = array<i64: 256, 1>}, {transform_indices = @transform_2, window_bounds = array<i64: 256, 1>}]} {
    %get3A = arith.constant 0 : index
    %get3A_0 = arith.constant 0 : index
    %get3A_1 = vector.load %arg1[%get3A, %get3A_0] : memref<256x256xf32, #tpu.memory_space<vmem>>, vector<256x256xf32>
    %bitcast_convert_type3A = tpu.bitcast %get3A_1 : vector<256x256xf32> -> vector<256x256xi32>
    %broadcast_in_dim3A = arith.constant -1 : i32
    %broadcast_in_dim3A_2 = vector.broadcast %broadcast_in_dim3A : i32 to vector<256x1xi32>
    %reduce_max3A = arith.constant dense<-2147483648> : vector<256xi32>
    %reduce_max3A_3 = vector.multi_reduction <maxsi>, %bitcast_convert_type3A, %reduce_max3A [1] : vector<256x256xi32> to vector<256xi32>
    %broadcast_in_dim3A_4 = vector.shape_cast %reduce_max3A_3 : vector<256xi32> to vector<256x1xi32>
    %scan3A = arith.constant 0 : i32
    %scan3A_5 = arith.constant 31 : i32
    %scan3A_6 = arith.addi %scan3A, %scan3A_5 : i32
    %scan3A_7 = arith.constant 1 : i32
    %scan3A_8:2 = scf.for %scan3A_20 = %scan3A to %scan3A_6 step %scan3A_7 iter_args(%scan3A_21 = %broadcast_in_dim3A_2, %scan3A_22 = %broadcast_in_dim3A_4) -> (vector<256x1xi32>, vector<256x1xi32>)  : i32 {
      %sub3A = arith.subi %scan3A_22, %scan3A_21 : vector<256x1xi32>
      %shift_right_arithmetic3A = arith.constant 1 : i32
      %shift_right_arithmetic3A_23 = vector.broadcast %shift_right_arithmetic3A : i32 to vector<256x1xi32>
      %shift_right_arithmetic3A_24 = arith.shrsi %sub3A, %shift_right_arithmetic3A_23 : vector<256x1xi32>
      %add3A = arith.addi %scan3A_21, %shift_right_arithmetic3A_24 : vector<256x1xi32>
      %le3A = vector.broadcast %add3A : vector<256x1xi32> to vector<256x256xi32>
      %le3A_25 = arith.cmpi sle, %bitcast_convert_type3A, %le3A : vector<256x256xi32>
      %convert_element_type3A_26 = arith.extui %le3A_25 : vector<256x256xi1> to vector<256x256xi32>
      %convert_element_type3A_27 = arith.sitofp %convert_element_type3A_26 : vector<256x256xi32> to vector<256x256xf32>
      %reduce_sum3A_28 = arith.constant dense<0.000000e+00> : vector<256xf32>
      %reduce_sum3A_29 = vector.multi_reduction <add>, %convert_element_type3A_27, %reduce_sum3A_28 [1] : vector<256x256xf32> to vector<256xf32>
      %broadcast_in_dim3A_30 = vector.shape_cast %reduce_sum3A_29 : vector<256xf32> to vector<256x1xf32>
      %ge3A = arith.constant 3.200000e+01 : f32
      %ge3A_31 = vector.broadcast %ge3A : f32 to vector<256x1xf32>
      %ge3A_32 = arith.cmpf oge, %broadcast_in_dim3A_30, %ge3A_31 : vector<256x1xf32>
      %select_n3A = arith.select %ge3A_32, %scan3A_21, %add3A : vector<256x1xi1>, vector<256x1xi32>
      %select_n3A_33 = arith.select %ge3A_32, %add3A, %scan3A_22 : vector<256x1xi1>, vector<256x1xi32>
      scf.yield %select_n3A, %select_n3A_33 : vector<256x1xi32>, vector<256x1xi32>
    }
    %bitcast_convert_type3A_9 = tpu.bitcast %scan3A_8#1 : vector<256x1xi32> -> vector<256x1xf32>
    %swap3A = arith.constant 0 : index
    %swap3A_10 = arith.constant 0 : index
    %swap3A_11 = vector.load %arg2[%swap3A, %swap3A_10] : memref<256x1xf32, #tpu.memory_space<vmem>>, vector<256x1xf32>
    tpu.vector_store %arg2[%swap3A, %swap3A_10], %bitcast_convert_type3A_9 {strides = array<i32>} : memref<256x1xf32, #tpu.memory_space<vmem>>, vector<256x1xf32>,
    %lt3A = vector.broadcast %scan3A_8#1 : vector<256x1xi32> to vector<256x256xi32>
    %lt3A_12 = arith.cmpi slt, %bitcast_convert_type3A, %lt3A : vector<256x256xi32>
    %convert_element_type3A = arith.extui %lt3A_12 : vector<256x256xi1> to vector<256x256xi32>
    %convert_element_type3A_13 = arith.sitofp %convert_element_type3A : vector<256x256xi32> to vector<256x256xf32>
    %reduce_sum3A = arith.constant dense<0.000000e+00> : vector<256xf32>
    %reduce_sum3A_14 = vector.multi_reduction <add>, %convert_element_type3A_13, %reduce_sum3A [1] : vector<256x256xf32> to vector<256xf32>
    %broadcast_in_dim3A_15 = vector.shape_cast %reduce_sum3A_14 : vector<256xf32> to vector<256x1xf32>
    %convert_element_type3A_16 = arith.fptosi %broadcast_in_dim3A_15 : vector<256x1xf32> to vector<256x1xi32>
    %swap3A_17 = arith.constant 0 : index
    %swap3A_18 = arith.constant 0 : index
    %swap3A_19 = vector.load %arg3[%swap3A_17, %swap3A_18] : memref<256x1xi32, #tpu.memory_space<vmem>>, vector<256x1xi32>
    tpu.vector_store %arg3[%swap3A_17, %swap3A_18], %convert_element_type3A_16 {strides = array<i32>} : memref<256x1xi32, #tpu.memory_space<vmem>>, vector<256x1xi32>,
    return
  }
  func.func @transform_0(%arg0: i32) -> (i32, i32) {
    %c0_i32 = arith.constant 0 : i32
    %c0_i32_0 = arith.constant 0 : i32
    return %arg0, %c0_i32 : i32, i32
  }
  func.func @transform_1(%arg0: i32) -> (i32, i32) {
    %c0_i32 = arith.constant 0 : i32
    %c0_i32_0 = arith.constant 0 : i32
    return %arg0, %c0_i32 : i32, i32
  }
  func.func @transform_2(%arg0: i32) -> (i32, i32) {
    %c0_i32 = arith.constant 0 : i32
    %c0_i32_0 = arith.constant 0 : i32
    return %arg0, %c0_i32 : i32, i32
  }
}

module attributes {stable_mosaic.version = 14 : i64} {
  func.func @_mlp_body(%arg0: i32, %arg1: memref<2048x8xf32, #tpu.memory_space<vmem>>, %arg2: memref<2048x128xf32, #tpu.memory_space<vmem>>, %arg3: memref<64x128xf32, #tpu.memory_space<vmem>>, %arg4: memref<8x128xf32, #tpu.memory_space<vmem>>, %arg5: memref<128x128xf32, #tpu.memory_space<vmem>>, %arg6: memref<1x128xf32, #tpu.memory_space<vmem>>, %arg7: memref<128x512xf32, #tpu.memory_space<vmem>>, %arg8: memref<128x512xf32, #tpu.memory_space<vmem>>, %arg9: memref<1x512xf32, #tpu.memory_space<vmem>>, %arg10: memref<512x384xf32, #tpu.memory_space<vmem>>, %arg11: memref<1x384xf32, #tpu.memory_space<vmem>>, %arg12: memref<64x384xf32, #tpu.memory_space<vmem>>) attributes {dimension_semantics = [#tpu.dimension_semantics<arbitrary>], iteration_bounds = array<i64: 32>, scalar_prefetch = 0 : i64, scratch_operands = 0 : i64, tpu.core_type = #tpu.core_type<tc>, window_params = [{transform_indices = @transform_0, window_bounds = array<i64: 2048, 8>}, {transform_indices = @transform_1, window_bounds = array<i64: 2048, 128>}, {transform_indices = @transform_2, window_bounds = array<i64: 64, 128>}, {pipeline_mode = #tpu.pipeline_mode<synchronous>, transform_indices = @transform_3, window_bounds = array<i64: 8, 128>}, {pipeline_mode = #tpu.pipeline_mode<synchronous>, transform_indices = @transform_4, window_bounds = array<i64: 128, 128>}, {pipeline_mode = #tpu.pipeline_mode<synchronous>, transform_indices = @transform_5, window_bounds = array<i64: 1, 128>}, {pipeline_mode = #tpu.pipeline_mode<synchronous>, transform_indices = @transform_6, window_bounds = array<i64: 128, 512>}, {pipeline_mode = #tpu.pipeline_mode<synchronous>, transform_indices = @transform_7, window_bounds = array<i64: 128, 512>}, {pipeline_mode = #tpu.pipeline_mode<synchronous>, transform_indices = @transform_8, window_bounds = array<i64: 1, 512>}, {pipeline_mode = #tpu.pipeline_mode<synchronous>, transform_indices = @transform_9, window_bounds = array<i64: 512, 384>}, {pipeline_mode = #tpu.pipeline_mode<synchronous>, transform_indices = @transform_10, window_bounds = array<i64: 1, 384>}, {transform_indices = @transform_11, window_bounds = array<i64: 64, 384>}]} {
    %get3A = arith.constant 0 : index
    %get3A_0 = arith.constant 0 : index
    %get3A_1 = vector.load %arg3[%get3A, %get3A_0] : memref<64x128xf32, #tpu.memory_space<vmem>>, vector<64x128xf32>
    %broadcast_in_dim3A = vector.shape_cast %get3A_1 : vector<64x128xf32> to vector<64x1x128xf32>
    %broadcast_in_dim3A_2 = vector.shape_cast %broadcast_in_dim3A : vector<64x1x128xf32> to vector<64x1x128xf32>
    %broadcast_in_dim3A_3 = vector.broadcast %broadcast_in_dim3A_2 : vector<64x1x128xf32> to vector<64x32x128xf32>
    %reshape3A = vector.shape_cast %broadcast_in_dim3A_3 : vector<64x32x128xf32> to vector<2048x128xf32>
    %get3A_4 = arith.constant 0 : index
    %get3A_5 = arith.constant 0 : index
    %get3A_6 = vector.load %arg2[%get3A_4, %get3A_5] : memref<2048x128xf32, #tpu.memory_space<vmem>>, vector<2048x128xf32>
    %sub3A = arith.subf %get3A_6, %reshape3A : vector<2048x128xf32>
    %get3A_7 = arith.constant 0 : index
    %get3A_8 = arith.constant 0 : index
    %get3A_9 = vector.load %arg1[%get3A_7, %get3A_8] : memref<2048x8xf32, #tpu.memory_space<vmem>>, vector<2048x8xf32>
    %get3A_10 = arith.constant 0 : index
    %get3A_11 = arith.constant 0 : index
    %get3A_12 = vector.load %arg4[%get3A_10, %get3A_11] : memref<8x128xf32, #tpu.memory_space<vmem>>, vector<8x128xf32>
    %dot_general3A = arith.constant dense<0.000000e+00> : vector<2048x128xf32>
    %dot_general3A_13 = tpu.matmul %get3A_9, %get3A_12, %dot_general3A {dimension_numbers = #tpu.dot_dimension_numbers<[1], [0], [0], [1], [0, 0, 1, 1], [], []>, transpose_lhs_hint = false} : vector<2048x8xf32>, vector<8x128xf32>, vector<2048x128xf32> -> vector<2048x128xf32>
    %get3A_14 = arith.constant 0 : index
    %get3A_15 = arith.constant 0 : index
    %get3A_16 = vector.load %arg5[%get3A_14, %get3A_15] : memref<128x128xf32, #tpu.memory_space<vmem>>, vector<128x128xf32>
    %dot_general3A_17 = arith.constant dense<0.000000e+00> : vector<2048x128xf32>
    %dot_general3A_18 = tpu.matmul %sub3A, %get3A_16, %dot_general3A_17 {dimension_numbers = #tpu.dot_dimension_numbers<[1], [0], [0], [1], [0, 0, 1, 1], [], []>, transpose_lhs_hint = false} : vector<2048x128xf32>, vector<128x128xf32>, vector<2048x128xf32> -> vector<2048x128xf32>
    %add3A = arith.addf %dot_general3A_13, %dot_general3A_18 : vector<2048x128xf32>
    %get3A_19 = arith.constant 0 : index
    %get3A_20 = arith.constant 0 : index
    %get3A_21 = vector.load %arg6[%get3A_19, %get3A_20] : memref<1x128xf32, #tpu.memory_space<vmem>>, vector<1x128xf32>
    %add3A_22 = vector.broadcast %get3A_21 : vector<1x128xf32> to vector<2048x128xf32>
    %add3A_23 = arith.addf %add3A, %add3A_22 : vector<2048x128xf32>
    %max3A = arith.constant 0.000000e+00 : f32
    %max3A_24 = vector.broadcast %max3A : f32 to vector<2048x128xf32>
    %max3A_25 = arith.maximumf %add3A_23, %max3A_24 : vector<2048x128xf32>
    %reshape3A_26 = vector.shape_cast %max3A_25 : vector<2048x128xf32> to vector<64x32x128xf32>
    %reduce_max3A = arith.constant dense<0xFF800000> : vector<64x128xf32>
    %reduce_max3A_27 = vector.multi_reduction <maximumf>, %reshape3A_26, %reduce_max3A [1] : vector<64x32x128xf32> to vector<64x128xf32>
    %broadcast_in_dim3A_28 = vector.shape_cast %reduce_max3A_27 : vector<64x128xf32> to vector<64x1x128xf32>
    %broadcast_in_dim3A_29 = vector.shape_cast %broadcast_in_dim3A_28 : vector<64x1x128xf32> to vector<64x1x128xf32>
    %broadcast_in_dim3A_30 = vector.broadcast %broadcast_in_dim3A_29 : vector<64x1x128xf32> to vector<64x32x128xf32>
    %reshape3A_31 = vector.shape_cast %broadcast_in_dim3A_30 : vector<64x32x128xf32> to vector<2048x128xf32>
    %get3A_32 = arith.constant 0 : index
    %get3A_33 = arith.constant 0 : index
    %get3A_34 = vector.load %arg7[%get3A_32, %get3A_33] : memref<128x512xf32, #tpu.memory_space<vmem>>, vector<128x512xf32>
    %dot_general3A_35 = arith.constant dense<0.000000e+00> : vector<2048x512xf32>
    %dot_general3A_36 = tpu.matmul %max3A_25, %get3A_34, %dot_general3A_35 {dimension_numbers = #tpu.dot_dimension_numbers<[1], [0], [0], [1], [0, 0, 1, 1], [], []>, transpose_lhs_hint = false} : vector<2048x128xf32>, vector<128x512xf32>, vector<2048x512xf32> -> vector<2048x512xf32>
    %get3A_37 = arith.constant 0 : index
    %get3A_38 = arith.constant 0 : index
    %get3A_39 = vector.load %arg8[%get3A_37, %get3A_38] : memref<128x512xf32, #tpu.memory_space<vmem>>, vector<128x512xf32>
    %dot_general3A_40 = arith.constant dense<0.000000e+00> : vector<2048x512xf32>
    %dot_general3A_41 = tpu.matmul %reshape3A_31, %get3A_39, %dot_general3A_40 {dimension_numbers = #tpu.dot_dimension_numbers<[1], [0], [0], [1], [0, 0, 1, 1], [], []>, transpose_lhs_hint = false} : vector<2048x128xf32>, vector<128x512xf32>, vector<2048x512xf32> -> vector<2048x512xf32>
    %add3A_42 = arith.addf %dot_general3A_36, %dot_general3A_41 : vector<2048x512xf32>
    %get3A_43 = arith.constant 0 : index
    %get3A_44 = arith.constant 0 : index
    %get3A_45 = vector.load %arg9[%get3A_43, %get3A_44] : memref<1x512xf32, #tpu.memory_space<vmem>>, vector<1x512xf32>
    %add3A_46 = vector.broadcast %get3A_45 : vector<1x512xf32> to vector<2048x512xf32>
    %add3A_47 = arith.addf %add3A_42, %add3A_46 : vector<2048x512xf32>
    %max3A_48 = arith.constant 0.000000e+00 : f32
    %max3A_49 = vector.broadcast %max3A_48 : f32 to vector<2048x512xf32>
    %max3A_50 = arith.maximumf %add3A_47, %max3A_49 : vector<2048x512xf32>
    %reshape3A_51 = vector.shape_cast %max3A_50 : vector<2048x512xf32> to vector<64x32x512xf32>
    %reduce_max3A_52 = arith.constant dense<0xFF800000> : vector<64x512xf32>
    %reduce_max3A_53 = vector.multi_reduction <maximumf>, %reshape3A_51, %reduce_max3A_52 [1] : vector<64x32x512xf32> to vector<64x512xf32>
    %get3A_54 = arith.constant 0 : index
    %get3A_55 = arith.constant 0 : index
    %get3A_56 = vector.load %arg10[%get3A_54, %get3A_55] : memref<512x384xf32, #tpu.memory_space<vmem>>, vector<512x384xf32>
    %dot_general3A_57 = arith.constant dense<0.000000e+00> : vector<64x384xf32>
    %dot_general3A_58 = tpu.matmul %reduce_max3A_53, %get3A_56, %dot_general3A_57 {dimension_numbers = #tpu.dot_dimension_numbers<[1], [0], [0], [1], [0, 0, 1, 1], [], []>, transpose_lhs_hint = false} : vector<64x512xf32>, vector<512x384xf32>, vector<64x384xf32> -> vector<64x384xf32>
    %get3A_59 = arith.constant 0 : index
    %get3A_60 = arith.constant 0 : index
    %get3A_61 = vector.load %arg11[%get3A_59, %get3A_60] : memref<1x384xf32, #tpu.memory_space<vmem>>, vector<1x384xf32>
    %add3A_62 = vector.broadcast %get3A_61 : vector<1x384xf32> to vector<64x384xf32>
    %add3A_63 = arith.addf %dot_general3A_58, %add3A_62 : vector<64x384xf32>
    %swap3A = arith.constant 0 : index
    %swap3A_64 = arith.constant 0 : index
    %swap3A_65 = vector.load %arg12[%swap3A, %swap3A_64] : memref<64x384xf32, #tpu.memory_space<vmem>>, vector<64x384xf32>
    tpu.vector_store %arg12[%swap3A, %swap3A_64], %add3A_63 {strides = array<i32>} : memref<64x384xf32, #tpu.memory_space<vmem>>, vector<64x384xf32>,
    return
  }
  func.func @transform_0(%arg0: i32) -> (i32, i32) {
    %c0_i32 = arith.constant 0 : i32
    %c0_i32_0 = arith.constant 0 : i32
    return %arg0, %c0_i32 : i32, i32
  }
  func.func @transform_1(%arg0: i32) -> (i32, i32) {
    %c0_i32 = arith.constant 0 : i32
    %c0_i32_0 = arith.constant 0 : i32
    return %arg0, %c0_i32 : i32, i32
  }
  func.func @transform_2(%arg0: i32) -> (i32, i32) {
    %c0_i32 = arith.constant 0 : i32
    %c0_i32_0 = arith.constant 0 : i32
    return %arg0, %c0_i32 : i32, i32
  }
  func.func @transform_3(%arg0: i32) -> (i32, i32) {
    %c0_i32 = arith.constant 0 : i32
    %c0_i32_0 = arith.constant 0 : i32
    %c0_i32_1 = arith.constant 0 : i32
    return %c0_i32, %c0_i32_0 : i32, i32
  }
  func.func @transform_4(%arg0: i32) -> (i32, i32) {
    %c0_i32 = arith.constant 0 : i32
    %c0_i32_0 = arith.constant 0 : i32
    %c0_i32_1 = arith.constant 0 : i32
    return %c0_i32, %c0_i32_0 : i32, i32
  }
  func.func @transform_5(%arg0: i32) -> (i32, i32) {
    %c0_i32 = arith.constant 0 : i32
    %c0_i32_0 = arith.constant 0 : i32
    %c0_i32_1 = arith.constant 0 : i32
    return %c0_i32, %c0_i32_0 : i32, i32
  }
  func.func @transform_6(%arg0: i32) -> (i32, i32) {
    %c0_i32 = arith.constant 0 : i32
    %c0_i32_0 = arith.constant 0 : i32
    %c0_i32_1 = arith.constant 0 : i32
    return %c0_i32, %c0_i32_0 : i32, i32
  }
  func.func @transform_7(%arg0: i32) -> (i32, i32) {
    %c0_i32 = arith.constant 0 : i32
    %c0_i32_0 = arith.constant 0 : i32
    %c0_i32_1 = arith.constant 0 : i32
    return %c0_i32, %c0_i32_0 : i32, i32
  }
  func.func @transform_8(%arg0: i32) -> (i32, i32) {
    %c0_i32 = arith.constant 0 : i32
    %c0_i32_0 = arith.constant 0 : i32
    %c0_i32_1 = arith.constant 0 : i32
    return %c0_i32, %c0_i32_0 : i32, i32
  }
  func.func @transform_9(%arg0: i32) -> (i32, i32) {
    %c0_i32 = arith.constant 0 : i32
    %c0_i32_0 = arith.constant 0 : i32
    %c0_i32_1 = arith.constant 0 : i32
    return %c0_i32, %c0_i32_0 : i32, i32
  }
  func.func @transform_10(%arg0: i32) -> (i32, i32) {
    %c0_i32 = arith.constant 0 : i32
    %c0_i32_0 = arith.constant 0 : i32
    %c0_i32_1 = arith.constant 0 : i32
    return %c0_i32, %c0_i32_0 : i32, i32
  }
  func.func @transform_11(%arg0: i32) -> (i32, i32) {
    %c0_i32 = arith.constant 0 : i32
    %c0_i32_0 = arith.constant 0 : i32
    return %arg0, %c0_i32 : i32, i32
  }
}

</mosaic_0001>

<sc_bundles>
// kernel: kernel.11.cloned.1.call-start
scs
__scs_entry_jumppad:
0x0: {  	(pc) =	sbr.rel $0x88, $3  }
0x1: {  	(tag) =	ssettag $0x0;
	lr =	simm.s32 $0x1  }
0x2: {  	[smem:$0x3F99] =	sst lr;
	_ =	strace $0xD0000000  }
0x3: {  	_ = 	snop  }
0x4: {  	_ = 	snop  }
0x5: {  	_ = 	snop  }
0x6: {  	_ = 	snop  }
0x7: {  	_ = 	snop  }
__scs_overlays_trampoline_lowered:
0x8: {  	[smem:$0x3FA8] =	sst s0  }
0x9: {  	[smem:$0x3FA9] =	sst s1  }
0xa: {  	[smem:$0x3FAA] =	sst s2  }
0xb: {  	[smem:$0x3FAB] =	sst s3  }
0xc: {  	[smem:$0x3FAC] =	sst s4  }
0xd: {  	[smem:$0x3FAD] =	sst s5  }
0xe: {  	[smem:$0x3FAE] =	sst s6  }
0xf: {  	[smem:$0x3FAF] =	sst s7  }
0x10: {  	[smem:$0x3FB0] =	sst s8  }
0x11: {  	[smem:$0x3FB1] =	sst s9;
	s0 =	simm.s32 @!p0 $0x0  }
0x12: {  	s1 =	sld [smem:$0x3F97];
	s0 =	simm.s32 @p0 $0x1  }
0x13: {  	[smem:$0x3FB2] =	sst s0;
	s0 =	simm.s32 @!p1 $0x0  }
0x14: {  	s2 =	sld [smem:$0x3F96];
	s0 =	simm.s32 @p1 $0x1  }
0x15: {  	[smem:$0x3FB3] =	sst s0;
	s0 =	simm.s32 @!p2 $0x0  }
0x16: {  	s3 =	sld [smem:$0x3FDB];
	s0 =	simm.s32 @p2 $0x1  }
0x17: {  	s4 =	simm.s32 $0x1BF5;
	[smem:$0x3FB5] =	sst s0  }
0x18: {  	s0 =	sld [smem:$0x3F98];
	_ =	swait.ge [sflag:s4], $0x0  }
0x19: {  	s7 =	sld [smem:$0x3F99]  }
0x1a: {  	s8 =	sadd.s32 $0xFFFFE003, lr  }
0x1b: {  	s9 =	sadd.s32 $0xFFFFFEF7, lr;
	s5 =	simm.s32 $0xFFFFFFFF;
	p2 =	slt.u32 s8, $0xFFFFF086  }
0x1c: {  	p1 =	slt.u32 s9, $0xF7A;
	s5 =	simm.s32 @!p2 $0x0  }
0x1d: {  	s5 =	simm.s32 @p1 $0x1;
	p0 =	seq.s32 s7, s2  }
0x1e: {  	s7 =	smul.u32 @!p0 $0xF7A, s2;
	p2 =	seq.s32 @!p0 s5, $0x0  }
0x1f: {  	s9 =	smul.u32 $0xF7A, s1;
	s8 =	simm.s32 @!p0 $0x1BF5;
	p2 =	por !p2, p0  }
0x20: {  	[sflag:s8] =	ssyncset.s32 @!p0 $0xFFFFF086;
	s6 =	sadd.s32 @!p0 s3, s7;
	s7 =	simm.s32 @!p0 $0x108  }
0x21: {  	s3 =	sadd.s32 s3, s9;
	s6 =	sadd.s32 @!p0 $0x88, s6;
	s7 =	simm.s32 @p2 $0x1082  }
0x22: {  	[simem:s7], [sflag:s8] =	dma.local @!p0 [hbm:s6], $0xF7A  }
0x23: {  	s9 =	sor.u32 $0xD0000000, s2;
	s6 =	simm.s32 $0x108;
	_ =	swait.ge @!p0 [sflag:s8], $0x0  }
0x24: {  	s3 =	sadd.s32 $0x88, s3;
	s6 =	simm.s32 @!p1 $0x1082;
	[sflag:s4] =	ssyncset.s32 $0xFFFFF086  }
0x25: {  	[simem:s6], [sflag:s4] =	dma.local [hbm:s3], $0xF7A  }
0x26: {  	[smem:$0x3F99] =	sst s1;
	(tag) =	ssettag s2;
	_ =	strace s9  }
0x27: {  	s1 =	sld [smem:$0x3FA9]  }
0x28: {  	s2 =	sld [smem:$0x3FAA]  }
0x29: {  	s4 =	sld [smem:$0x3FAC]  }
0x2a: {  	p0 =	seq.s32 s5, $0x0;
	s5 =	sld [smem:$0x3FAD]  }
0x2b: {  	s6 =	sld [smem:$0x3FAE]  }
0x2c: {  	s7 =	sld [smem:$0x3FAF]  }
0x2d: {  	s3 =	simm.s32 $0x108;
	s8 =	sld [smem:$0x3FB0]  }
0x2e: {  	s3 =	simm.s32 @!p0 $0x1082;
	s9 =	sld [smem:$0x3FB1]  }
0x2f: {  	lr =	sadd.s32 s0, s3;
	s0 =	sld [smem:$0x3FA8]  }
0x30: {  	s3 =	sld [smem:$0x3FAB]  }
0x31: {  	[smem:$0x3FB4] =	sst s10  }
0x32: {  	s10 =	sld [smem:$0x3FB2];
	_ =	sdelay $0x3  }
0x33: {  	p0 =	seq.s32 s10, $0x1;
	s10 =	sld [smem:$0x3FB4];
	_ =	sdelay $0x3  }
0x34: {  	[smem:$0x3FB4] =	sst s10  }
0x35: {  	s10 =	sld [smem:$0x3FB3];
	_ =	sdelay $0x3  }
0x36: {  	p1 =	seq.s32 s10, $0x1;
	s10 =	sld [smem:$0x3FB4];
	_ =	sdelay $0x3  }
0x37: {  	[smem:$0x3FB4] =	sst s10  }
0x38: {  	s10 =	sld [smem:$0x3FB5]  }
0x39: {  	_ = 	snop;
	(pc) =	sbr.ind lr, $3  }
0x3a: {  	_ = 	snop  }
0x3b: {  	_ = 	snop  }
0x3c: {  	p2 =	seq.s32 s10, $0x1;
	s10 =	sld [smem:$0x3FB4]  }
0x3d: {  	_ =	shalt  }
0x3e: {  	_ =	shalt  }
0x3f: {  	_ =	shalt  }
0x40: {  	_ =	shalt  }
0x41: {  	_ =	shalt  }
0x42: {  	_ =	shalt  }
0x43: {  	_ =	shalt  }
0x44: {  	_ =	shalt  }
0x45: {  	_ =	shalt  }
0x46: {  	_ =	shalt  }
0x47: {  	_ =	shalt  }
0x48: {  	_ =	shalt  }
0x49: {  	_ =	shalt  }
0x4a: {  	_ =	shalt  }
0x4b: {  	_ =	shalt  }
0x4c: {  	_ =	shalt  }
0x4d: {  	_ =	shalt  }
0x4e: {  	_ =	shalt  }
0x4f: {  	_ =	shalt  }
0x50: {  	_ =	shalt  }
0x51: {  	_ =	shalt  }
0x52: {  	_ =	shalt  }
0x53: {  	_ =	shalt  }
0x54: {  	_ =	shalt  }
0x55: {  	_ =	shalt  }
0x56: {  	_ =	shalt  }
0x57: {  	_ =	shalt  }
0x58: {  	_ =	shalt  }
0x59: {  	_ =	shalt  }
0x5a: {  	_ =	shalt  }
0x5b: {  	_ =	shalt  }
0x5c: {  	_ =	shalt  }
0x5d: {  	_ =	shalt  }
0x5e: {  	_ =	shalt  }
0x5f: {  	_ =	shalt  }
0x60: {  	_ =	shalt  }
0x61: {  	_ =	shalt  }
0x62: {  	_ =	shalt  }
0x63: {  	_ =	shalt  }
0x64: {  	_ =	shalt  }
0x65: {  	_ =	shalt  }
0x66: {  	_ =	shalt  }
0x67: {  	_ =	shalt  }
0x68: {  	_ =	shalt  }
0x69: {  	_ =	shalt  }
0x6a: {  	_ =	shalt  }
0x6b: {  	_ =	shalt  }
0x6c: {  	_ =	shalt  }
0x6d: {  	_ =	shalt  }
0x6e: {  	_ =	shalt  }
0x6f: {  	_ =	shalt  }
0x70: {  	_ =	shalt  }
0x71: {  	_ =	shalt  }
0x72: {  	_ =	shalt  }
0x73: {  	_ =	shalt  }
0x74: {  	_ =	shalt  }
0x75: {  	_ =	shalt  }
0x76: {  	_ =	shalt  }
0x77: {  	_ =	shalt  }
0x78: {  	_ =	shalt  }
0x79: {  	_ =	shalt  }
0x7a: {  	_ =	shalt  }
0x7b: {  	_ =	shalt  }
0x7c: {  	_ =	shalt  }
0x7d: {  	_ =	shalt  }
0x7e: {  	_ =	shalt  }
0x7f: {  	_ =	shalt  }
0x80: {  	_ =	shalt  }
0x81: {  	_ =	shalt  }
0x82: {  	_ =	shalt  }
0x83: {  	_ =	shalt  }
0x84: {  	_ =	shalt  }
0x85: {  	_ =	shalt  }
0x86: {  	_ =	shalt  }
0x87: {  	_ =	shalt  }
.Lfunc_end0:
.L_simem_size_0:
called_computation.1_lowered:
.L_overlay_start_0:
0x88: {  	s2 =	sld [smem:$0x3FD9]  }
0x89: {  	s3 =	sld [smem:$0x3FFE];
	_ =	sdelay $0x1  }
0x8a: {  	s1 =	srdreg.scid  }
0x8b: {  	s0 =	sand.u32 $0x1, s1  }
0x8c: {  	s17 =	sshll.u32 s0, $0xA;
	s2 =	sadd.s32 s3, s2  }
0x8d: {  	s2 =	sadd.s32 s2, s17  }
0x8e: {  	[smem:$0x3FC0] =	sst s2  }
0x8f: {  	_ = 	snop  }
0x90: {  	s2 =	sld [smem:$0x3FC8]  }
0x91: {  	s18 =	sld [smem:$0x3FD0];
	(tm) =	ssettm $0x1  }
0x92: {  	s4 =	sld [smem:$0x3FFB];
	_ =	sdelay $0x3  }
0x93: {  	_ =	strace s4  }
0x94: {  	s4 =	sld [smem:$0x3FFC];
	_ =	sdelay $0x3  }
0x95: {  	_ =	strace s4  }
0x96: {  	s4 =	sld [smem:$0x3FFD];
	_ =	sdelay $0x3  }
0x97: {  	_ =	strace s4  }
0x98: {  	_ =	strace $0x8FFFFFFF  }
0x99: {  	s19 =	sld [smem:$0x3FDB];
	_ =	sdelay $0x1  }
0x9a: {  	s5 =	simm.s32 $_scs_section_size  }
0x9b: {  	s6 =	simm.s32 $_size__tile_overlayer_lowered;
	s7 =	simm.s32 $_tile_overlayer_lowered  }
0x9c: {  	s22 =	simm.s32 $0x1BFF;
	s21 =	sshll.u32 s7, $0x1;
	s4 =	sadd.s32 s5, s19  }
0x9d: {  	s8 =	simm.s32 $0x0;
	s20 =	sshll.u32 s6, $0x1;
	s6 =	sadd.s32 s21, s4  }
0x9e: {  	[timem:s8], [sflag:s22] =	dma.local [hbm:s6], s20  }
0x9f: {  	_ =	swait.ge [sflag:s22], s20  }
0xa0: {  	s5 =	ssub.s32 $0x0, s20;
	[sflag:s22] =	ssyncset.done $0x0  }
0xa1: {  	[sflag:s22] =	ssyncadd.s32 s5;
	_ =	sdelay $0x1  }
0xa2: {  	s23 =	simm.s32 $0x1B8B  }
0xa3: {  	_ =	swait.ge [sflag:s23], $0x1  }
0xa4: {  	[sflag:s23] =	ssyncset.done $0x0  }
0xa5: {  	s25 =	simm.s32 $0x1B8E;
	s24 =	sld [smem:$0x3FFE];
	[sflag:s23] =	ssyncadd.s32 $0xFFFFFFFF  }
0xa6: {  	s26 =	simm.s32 $execute0_lowered;
	[smem:$0x3FD2] =	sst s25  }
0xa7: {  	s6 =	sshll.u32 s26, $0x1;
	_ =	strace $0x80000049;
	[dreg:$0x1] =	wrdreg $0xFFFFFFFF  }
0xa8: {  	s28 =	simm.s32 $_size_execute0_lowered;
	s4 =	sadd.s32 s4, s6;
	[dreg:$0x0] =	wrdreg $0x0  }
0xa9: {  	s6 =	sshll.u32 s28, $0x1;
	[dreg:$0x2] =	wrdreg s4  }
0xaa: {  	[dreg:$0x3] =	wrdreg s6  }
0xab: {  	[dreg:$0x4] =	wrdreg $0xC0  }
0xac: {  	_ =	task [dreg:s8], $0x5FFFF  }
0xad: {  	[dreg:$0x1] =	wrdreg $0xFFFFFFFF  }
0xae: {  	[dreg:$0x0] =	wrdreg $0x60  }
0xaf: {  	[dreg:$0x2] =	wrdreg s24  }
0xb0: {  	[dreg:$0x3] =	wrdreg s2  }
0xb1: {  	[dreg:$0x4] =	wrdreg s18  }
0xb2: {  	[dreg:$0x5] =	wrdreg $0x9  }
0xb3: {  	_ =	task.clear_ibuf [dreg:s8], $0x6FFFF;
	_ =	strace $0x90000049  }
0xb4: {  	s29 =	simm.s32 $0x9;
	_ =	strace $0x8000004B  }
0xb5: {  	_ =	swait.ge [sflag:s29], $0x1  }
0xb6: {  	[sflag:s29] =	ssyncadd.s32 $0xFFFFFFFF  }
0xb7: {  	_ =	strace $0x9000004B  }
0xb8: {  	_ =	sfence  }
0xb9: {  	s30 =	sld [smem:$0x0];
	_ =	sdelay $0x2  }
0xba: {  	s31 =	sshll.u32 s1, $0xD;
	s1 =	sshrl.u32 s1, $0x2  }
0xbb: {  	s3 =	sand.u32 $0x4000, s31;
	s1 =	sadd.s32 s1, s30  }
0xbc: {  	s0 =	sor.u32 s3, s0;
	s1 =	sshll.u32 s1, $0x11  }
0xbd: {  	s0 =	sor.u32 s1, s0  }
0xbe: {  	s0 =	sadd.s32 $0x8F2B, s0  }
0xbf: {  	[sflag:s0] =	ssyncadd.remote.s32 $0x1  }
0xc0: {  	_ =	sfence.sel $0xFFFF  }
0xc1: {  	[dreg:$0x0] =	wrdreg $0xFFFFFFFF;
	(pc) =	sbr.abs _section_cstart, $3  }
0xc2: {  	[dreg:$0x1] =	wrdreg $0xFFFFFFFF  }
0xc3: {  	_ =	task.clear_ibuf [dreg:s8], $0x2FFFF;
	_ =	strace $0x9FFFFFFF  }
0xc4: {  	(tm) =	ssettm $0x7FFFFFFF  }
0xc5: {  	_ =	shalt  }
tec
execute0_lowered:
.L_overlay_start_1:
0x0: {  	(tag) =	ssettag $0x1  }
0x1: {  	s0 =	srdreg.scid;
	s11 =	rddreg [dreg:$0x0]  }
0x2: {  	s2 =	stileid.u32;
	s3 =	rddreg [dreg:$0x2]  }
0x3: {  	s5 =	simm.s32 $0x1;
	s4 =	simm.s32 $0x0;
	s7 =	simm.s32 $0x1  }
0x4: {  	s28 =	simm.s32 $0xC180;
	s29 =	simm.s32 $0xC200;
	s0 =	sand.u32 $0x1, s0  }
0x5: {  	s30 =	simm.s32 $0xC280;
	s31 =	simm.s32 $0xC300;
	s1 =	sshll.u32 s0, $0x4  }
0x6: {  	s15 =	simm.s32 $0xC600;
	s9 =	sand.u32 $0x7, s2;
	s1 =	sor.u32 s2, s1  }
0x7: {  	s16 =	simm.s32 $0xD600;
	p1 =	sne.s32 s9, $0x0;
	p0 =	seq.s32 s1, $0x0  }
0x8: {  	s17 =	simm.s32 $0x0;
	[smem:$0x7FF] =	sst s4;
	p0 =	por !p1, !p0  }
0x9: {  	s6 =	sadd.s32 $0x16A00, s11;
	s0 =	ssub.s32 $0x2, s0;
	p0 =	por !p0, !p0  }
0xa: {  	s10 =	sshll.u32 s9, $0x6;
	s1 =	sshrl.u32 s1, $0x3;
	s5 =	simm.s32 @!p0 $0x0  }
0xb: {  	s9 =	sadd.s32 $0x2D200, s11;
	s14 =	sshrl.u32 s0, $0x1;
	s1 =	ssub.s32 s1, s5  }
0xc: {  	s2 =	rddreg [dreg:$0x1];
	s0 =	ssub.s32 s0, s14;
	s12 =	sshll.u32 s1, $0xE  }
0xd: {  	_ =	strace $0x8000004A;
	s0 =	smax.u32 s0, $0x1;
	s8 =	sshrl.u32 s12, $0x3  }
0xe: {  	[dreg:$0xd] =	wrdreg s0;
	s0 =	simm.s32 $0xC500;
	s13 =	sadd.s32 s8, s11  }
0xf: {  	s5 =	sadd.s32 $0x6A00, s11;
	s1 =	sshll.u32 s1, $0x9;
	s21 =	sadd.s32 $0x2AA00, s13  }
0x10: {  	s10 =	sor.u32 s10, s1;
	s23 =	sadd.s32 $0x28A00, s13;
	[dreg:$0x4] =	wrdreg s21  }
0x11: {  	s22 =	sshrl.u32 s10, $0x3;
	s13 =	sadd.s32 $0x26A00, s13;
	[dreg:$0x5] =	wrdreg s23  }
0x12: {  	v1 =	vmov s12;
	s12 =	simm.s32 $0xC580;
	s1 =	sadd.s32 s11, s22;
	[dreg:$0x6] =	wrdreg s13  }
0x13: {  	s8 =	sadd.s32 $0x35200, s11;
	s11 =	sadd.s32 $0x2CA00, s1;
	[dreg:$0x7] =	wrdreg s1  }
0x14: {  	s22 =	simm.s32 $0x4000;
	s24 =	sadd.s32 $0x2CC00, s1;
	[dreg:$0x8] =	wrdreg s11  }
0x15: {  	v0 =	vlaneseq.u32;
	s25 =	sadd.s32 $0x2CE00, s1;
	s26 =	sadd.s32 $0x200, s1;
	[dreg:$0x9] =	wrdreg s24  }
0x16: {  	v0 =	vmul.u32 $0x8, v0;
	s1 =	sadd.s32 $0x2D000, s1;
	s21 =	simm.s32 $0x2;
	[dreg:$0xa] =	wrdreg s25  }
0x17: {  	v2 =	vimm.f32 $0.0e+00;
	v3 =	vimm.s32 $0x0;
	s23 =	simm.s32 $0x8000;
	s13 =	simm.s32 $0x21;
	[dreg:$0xb] =	wrdreg s26  }
0x18: {  	v9 =	vimm.s32 $0x20;
	v4 =	vor.u32 $0x1, v0;
	v5 =	vor.u32 $0x2, v0;
	[dreg:$0xc] =	wrdreg s1;
	s24 =	simm.s32 $0xC000;
	s25 =	simm.s32 $0xC080  }
0x19: {  	v6 =	vor.u32 $0x80, v0;
	v7 =	vor.u32 $0x81, v0;
	v8 =	vor.u32 $0x82, v0;
	s26 =	simm.s32 $0xC100;
	s1 =	simm.s32 $0xC400;
	s11 =	simm.s32 $0xDA00  }
.LBB2_1:
0x1a: {  	[dreg:$0xe] =	wrdreg s17  }
0x1b: {  	s14 =	rddreg [dreg:$0x4]  }
0x1c: {  	[tilespmem:s4], [sflag:$0x2] =	stream.linear.gather [hbm4b:s14+s4], $0x4000, $0x38;
	[tilespmem:$0xDB00] =	vst v63  }
0x1d: {  	_ =	swait.ge [sflag:s21], $0x4000  }
0x1e: {  	[sflag:s21] =	ssyncset.done $0x0  }
0x1f: {  	s17 =	rddreg [dreg:$0x5];
	[sflag:s21] =	ssyncadd.s32 $0xFFFFC000  }
0x20: {  	[tilespmem:s22], [sflag:$0x2] =	stream.linear.gather [hbm4b:s17+s4], $0x4000, $0x38;
	[tilespmem:$0xDB00] =	vst v63  }
0x21: {  	_ =	swait.ge [sflag:s21], $0x4000  }
0x22: {  	[sflag:s21] =	ssyncset.done $0x0  }
0x23: {  	s18 =	rddreg [dreg:$0x6];
	[sflag:s21] =	ssyncadd.s32 $0xFFFFC000  }
0x24: {  	[tilespmem:s23], [sflag:$0x2] =	stream.linear.gather [hbm4b:s18+s4], $0x4000, $0x38;
	[tilespmem:$0xDB00] =	vst v63  }
0x25: {  	_ =	swait.ge [sflag:s21], $0x4000  }
0x26: {  	[sflag:s21] =	ssyncset.done $0x0  }
0x27: {  	s19 =	rddreg [dreg:$0x8];
	[sflag:s21] =	ssyncadd.s32 $0xFFFFC000  }
0x28: {  	[tilespmem:s24], [sflag:$0x2] =	stream.linear.gather [hbm4b:s19+s4], $0x40, $0x38;
	[tilespmem:$0xDB00] =	vst v63  }
0x29: {  	_ =	swait.ge [sflag:s21], $0x40  }
0x2a: {  	[sflag:s21] =	ssyncset.done $0x0  }
0x2b: {  	s20 =	rddreg [dreg:$0x9];
	[sflag:s21] =	ssyncadd.s32 $0xFFFFFFC0  }
0x2c: {  	[tilespmem:s25], [sflag:$0x2] =	stream.linear.gather [hbm4b:s20+s4], $0x40, $0x38;
	[tilespmem:$0xDB00] =	vst v63  }
0x2d: {  	_ =	swait.ge [sflag:s21], $0x40  }
0x2e: {  	[sflag:s21] =	ssyncset.done $0x0  }
0x2f: {  	s17 =	rddreg [dreg:$0xa];
	[sflag:s21] =	ssyncadd.s32 $0xFFFFFFC0  }
0x30: {  	[tilespmem:s26], [sflag:$0x2] =	stream.linear.gather [hbm4b:s17+s4], $0x40, $0x38;
	[tilespmem:$0xDB00] =	vst v63  }
0x31: {  	_ =	swait.ge [sflag:s21], $0x40  }
0x32: {  	[sflag:s21] =	ssyncset.done $0x0  }
0x33: {  	s18 =	rddreg [dreg:$0x7];
	[sflag:s21] =	ssyncadd.s32 $0xFFFFFFC0  }
0x34: {  	[tilespmem:s28], [sflag:$0x2] =	stream.linear.gather [hbm4b:s18+s4], $0x40, $0x38;
	[tilespmem:$0xDB00] =	vst v63  }
0x35: {  	_ =	swait.ge [sflag:s21], $0x40  }
0x36: {  	[sflag:s21] =	ssyncset.done $0x0  }
0x37: {  	s19 =	rddreg [dreg:$0xb];
	[sflag:s21] =	ssyncadd.s32 $0xFFFFFFC0  }
0x38: {  	[tilespmem:s29], [sflag:$0x2] =	stream.linear.gather [hbm4b:s19+s4], $0x40, $0x38;
	[tilespmem:$0xDB00] =	vst v63  }
0x39: {  	_ =	swait.ge [sflag:s21], $0x40  }
0x3a: {  	[sflag:s21] =	ssyncset.done $0x0  }
0x3b: {  	s20 =	rddreg [dreg:$0xc];
	[sflag:s21] =	ssyncadd.s32 $0xFFFFFFC0  }
0x3c: {  	[tilespmem:s30], [sflag:$0x2] =	stream.linear.gather [hbm4b:s20+s4], $0x40, $0x38;
	[tilespmem:$0xDB00] =	vst v63  }
0x3d: {  	_ =	swait.ge [sflag:s21], $0x40  }
0x3e: {  	[sflag:s21] =	ssyncset.done $0x0  }
0x3f: {  	[sflag:s21] =	ssyncadd.s32 $0xFFFFFFC0  }
0x40: {  	[tilespmem:$0xDA00] =	vst v2  }
0x41: {  	[tilespmem:$0xDA10] =	vst v2  }
0x42: {  	[tilespmem:$0xDA20] =	vst v2  }
0x43: {  	[tilespmem:$0xDA30] =	vst v2  }
0x44: {  	[tilespmem:$0xDA40] =	vst v2  }
0x45: {  	[tilespmem:$0xDA50] =	vst v2  }
0x46: {  	[tilespmem:$0xDA60] =	vst v2  }
0x47: {  	[tilespmem:$0xDA70] =	vst v2  }
0x48: {  	[tilespmem:$0xDA80] =	vst v2  }
0x49: {  	[tilespmem:$0xDA90] =	vst v2  }
0x4a: {  	[tilespmem:$0xDAA0] =	vst v2  }
0x4b: {  	[tilespmem:$0xDAB0] =	vst v2  }
0x4c: {  	[tilespmem:$0xDAC0] =	vst v2  }
0x4d: {  	[tilespmem:$0xDAD0] =	vst v2  }
0x4e: {  	[tilespmem:$0xDAE0] =	vst v2  }
0x4f: {  	s18 =	simm.s32 $0x0;
	[tilespmem:$0xDAF0] =	vst v2  }
.LBB2_2:
0x50: {  	s20 =	sor.u32 s10, s18  }
0x51: {  	s14 =	sshll.u32 s20, $0x5  }
0x52: {  	s19 =	sand.u32 $0x1FFFFFE0, s14  }
0x53: {  	s17 =	simm.s32 $0x0;
	s14 =	sadd.s32 s5, s19  }
0x54: {  	[tilespmem:s31], [sflag:$0x2] =	stream.linear.gather [hbm4b:s14+s17], $0x100, $0x38;
	[tilespmem:$0xDB00] =	vst v63  }
0x55: {  	_ =	swait.ge [sflag:s21], $0x100  }
0x56: {  	[sflag:s21] =	ssyncset.done $0x0  }
0x57: {  	v10 =	vmov s18;
	s14 =	sadd.s32 s6, s19;
	[sflag:s21] =	ssyncadd.s32 $0xFFFFFF00  }
0x58: {  	[tilespmem:s1], [sflag:$0x2] =	stream.linear.gather [hbm4b:s14+s17], $0x100, $0x38;
	[tilespmem:$0xDB00] =	vst v63  }
0x59: {  	_ =	swait.ge [sflag:s21], $0x100  }
0x5a: {  	[sflag:s21] =	ssyncset.done $0x0  }
0x5b: {  	[sflag:s21] =	ssyncadd.s32 $0xFFFFFF00  }
0x5c: {  	v15 =	vld.idx.msk [tilespmem:v10+s28+$0x0], $0xffff  }
0x5d: {  	v14 =	vld.idx.msk [tilespmem:v10+s29+$0x0], $0xffff  }
0x5e: {  	v11 =	vld.idx.msk [tilespmem:v10+s24+$0x0], $0xffff  }
0x5f: {  	v12 =	vld.idx.msk [tilespmem:v10+s25+$0x0], $0xffff  }
0x60: {  	v13 =	vld.idx.msk [tilespmem:v10+s26+$0x0], $0xffff  }
0x61: {  	v18 =	vimm.s32 $0x0;
	s14 =	simm.s32 $0x0;
	v10 =	vld.idx.msk [tilespmem:v10+s30+$0x0], $0xffff  }
0x62: {  	v19 =	vimm.s32 $0x0;
	v17 =	vimm.s32 $0x0;
	v16 =	vimm.s32 $0x0;
	s17 =	simm.s32 $0x40;
	v20 =	vld [tilespmem:s14+$0xC300]  }
.LBB2_3:
0x63: {  	p0 =	sne.s32 s17, $0x3C0;
	_ =	sdelay $0x3  }
0x64: {  	vm0 =	vlt.f32 v20, v15  }
0x65: {  	vm1 =	veq.f32 v20, v15;
	v20 =	vsel vm0, $0x1, v3;
	v21 =	vmpcnt.ones.xlane vm0  }
0x66: {  	v22 =	vsel vm1, $0x1, v3;
	v23 =	vmpcnt.ones.xlane vm1;
	(xrf0) =	vadd.scan.msk.s32 $0xffff, v20  }
0x67: {  	v18 =	vadd.s32 v18, v21;
	(xrf0) =	vadd.scan.msk.s32 $0xffff, v22  }
0x68: {  	v19 =	vadd.s32 v19, v23;
	_ =	sdelay $0x3  }
0x69: {  	v20, _, _ =	vpop (xrf0)  }
0x6a: {  	v21 =	vadd.s32 v14, v17;
	v17 =	vmov v19;
	v22, _, _ =	vpop (xrf0)  }
0x6b: {  	v20 =	vadd.s32 v16, v20;
	v16 =	vmov v18;
	v21 =	vadd.s32 v22, v21  }
0x6c: {  	v20 =	vsel vm0, v20, v21  }
0x6d: {  	v20 =	vadd.s32 $0xFFFFFFFF, v20  }
0x6e: {  	vm2 =	vlt.s32 v20, $0x20  }
0x6f: {  	vm1 =	vmand vm1, vm2;
	vm2 =	vgt.s32 v20, $0x0  }
0x70: {  	vm0 =	vmor vm0, vm1;
	v20 =	vnsel vm2, $0x0, v20  }
0x71: {  	v21 =	vld [tilespmem:s14+$0xC400];
	v20 =	vmin.u32 v20, $0x1F;
	_ =	sdelay $0x1  }
.Ltmp0:
0x72: {  	(pc) =	sbr.rel @p0 .LBB2_3-.Ltmp0, $3  }
0x73: {  	_ =	sdelay $0x1  }
0x74: {  	s14 =	sshra.s32 s17, $0x2;
	[tilespmem:v20+s0+$0x0] =	vst.idx.msk vm0, v21  }
0x75: {  	s17 =	sadd.s32 $0x40, s17;
	v20 =	vld [tilespmem:s14+$0xC300]  }
0x76: {  	_ =	sdelay $0x3  }
0x77: {  	vm0 =	vlt.f32 v20, v15  }
0x78: {  	vm1 =	veq.f32 v20, v15;
	v57 =	vsel vm0, $0x1, v3  }
0x79: {  	v18 =	vsel vm1, $0x1, v3;
	(xrf0) =	vadd.scan.msk.s32 $0xffff, v57  }
0x7a: {  	(xrf0) =	vadd.scan.msk.s32 $0xffff, v18;
	_ =	sdelay $0x4  }
0x7b: {  	v15, _, _ =	vpop (xrf0)  }
0x7c: {  	v14 =	vadd.s32 v14, v17;
	v58, _, _ =	vpop (xrf0)  }
0x7d: {  	v15 =	vadd.s32 v16, v15;
	v14 =	vadd.s32 v58, v14  }
0x7e: {  	v14 =	vsel vm0, v15, v14  }
0x7f: {  	v14 =	vadd.s32 $0xFFFFFFFF, v14  }
0x80: {  	vm2 =	vlt.s32 v14, $0x20  }
0x81: {  	vm15 =	vgt.s32 v14, $0x0;
	vm1 =	vmand vm1, vm2  }
0x82: {  	v14 =	vnsel vm15, $0x0, v14;
	vm0 =	vmor vm0, vm1  }
0x83: {  	v59 =	vld [tilespmem:s14+$0xC400];
	v14 =	vmin.u32 v14, $0x1F;
	_ =	sdelay $0x4  }
0x84: {  	[tilespmem:v14+s0+$0x0] =	vst.idx.msk vm0, v59  }
0x85: {  	v14 =	vld [tilespmem:$0xC500];
	_ =	sdelay $0x7  }
0x86: {  	v15 =	vld.idx.msk [tilespmem:v14+s4+$0x0], $0xffff  }
0x87: {  	v60 =	vld.idx.msk [tilespmem:v14+s22+$0x0], $0xffff  }
0x88: {  	v61 =	vld.idx.msk [tilespmem:v14+s23+$0x0], $0xffff;
	_ =	sdelay $0x2  }
0x89: {  	v15 =	vsub.f32 v15, v11  }
0x8a: {  	v16 =	vsub.f32 v60, v12  }
0x8b: {  	v17 =	vsub.f32 v61, v13;
	[tilespmem:v0+s11+$0x0] =	vst.idx.msk $0xffff, v15  }
0x8c: {  	[tilespmem:v4+s11+$0x0] =	vst.idx.msk $0xffff, v16  }
0x8d: {  	[tilespmem:v5+s11+$0x0] =	vst.idx.msk $0xffff, v17  }
0x8e: {  	v15 =	vld [tilespmem:$0xC510];
	_ =	sdelay $0x5  }
0x8f: {  	v14 =	vadd.s32 v1, v14  }
0x90: {  	[tilespmem:$0xC580] =	vst v14  }
0x91: {  	v14 =	vld.idx.msk [tilespmem:v15+s4+$0x0], $0xffff  }
0x92: {  	v16 =	vld.idx.msk [tilespmem:v15+s22+$0x0], $0xffff  }
0x93: {  	v17 =	vld.idx.msk [tilespmem:v15+s23+$0x0], $0xffff;
	_ =	sdelay $0x2  }
0x94: {  	v11 =	vsub.f32 v14, v11  }
0x95: {  	v62 =	vsub.f32 v16, v12  }
0x96: {  	v63 =	vsub.f32 v17, v13;
	[tilespmem:v6+s11+$0x0] =	vst.idx.msk $0xffff, v11  }
0x97: {  	[tilespmem:v7+s11+$0x0] =	vst.idx.msk $0xffff, v62  }
0x98: {  	v11 =	vadd.s32 v1, v15;
	[tilespmem:v8+s11+$0x0] =	vst.idx.msk $0xffff, v63  }
0x99: {  	[tilespmem:$0xC590] =	vst v11  }
0x9a: {  	[tilespmem:v9+s12+$0x0] =	vst.idx.msk $0x1, v10  }
0x9b: {  	[tilespmem:s15], [sflag:$0x1] =	stream.indirect.gather [hbm4b:s2+s13], $0x80, s12, s13, $0xb8;
	[tilespmem:$0xDB00] =	vst v63  }
0x9c: {  	s17 =	sshll.u32 s20, $0x9;
	_ =	swait.ge [sflag:s7], $0x1080  }
0x9d: {  	s14 =	sand.u32 $0x1FFFFE00, s17;
	[sflag:s7] =	ssyncset.done $0x0  }
0x9e: {  	s14 =	sadd.s32 s8, s14;
	[sflag:s7] =	ssyncadd.s32 $0xFFFFEF80  }
0x9f: {  	[hbm4b:s14+s4] =	stream.linear.scatter [tilespmem:s15], [sflag:$0x2], $0x1000, $0x38;
	[tilespmem:$0xDB00] =	vst v63  }
0xa0: {  	s17 =	sshll.u32 s20, $0x4;
	_ =	swait.ge [sflag:s21], $0x1000  }
0xa1: {  	s14 =	sand.u32 $0x1FFFFFF0, s17;
	[sflag:s21] =	ssyncset.done $0x0  }
0xa2: {  	s14 =	sadd.s32 s9, s14;
	[sflag:s21] =	ssyncadd.s32 $0xFFFFF000  }
0xa3: {  	[hbm4b:s14+s4] =	stream.linear.scatter [tilespmem:s16], [sflag:$0x2], $0x80, $0x38;
	[tilespmem:$0xDB00] =	vst v63  }
0xa4: {  	s18 =	sadd.s32 $0x1, s18;
	_ =	swait.ge [sflag:s21], $0x80  }
0xa5: {  	p0 =	sne.s32 s18, $0x40;
	[sflag:s21] =	ssyncset.done $0x0  }
.Ltmp1:
0xa6: {  	s20 =	sadd.s32 s3, s19;
	[sflag:s21] =	ssyncadd.s32 $0xFFFFFF80;
	(pc) =	sbr.rel @p0 .LBB2_2-.Ltmp1, $4  }
0xa7: {  	[hbm4b:s20+s4] =	stream.linear.scatter [tilespmem:s11], [sflag:$0x2], $0x100, $0x38;
	[tilespmem:$0xDB00] =	vst v63  }
0xa8: {  	_ =	swait.ge [sflag:s21], $0x100  }
0xa9: {  	[sflag:s21] =	ssyncset.done $0x0  }
0xaa: {  	[sflag:s21] =	ssyncadd.s32 $0xFFFFFF00  }
0xab: {  	s17 =	rddreg [dreg:$0xe]  }
0xac: {  	s14 =	rddreg [dreg:$0xd];
	s17 =	sadd.s32 $0x1, s17  }
0xad: {  	p0 =	sne.s32 s17, s14  }
.Ltmp2:
0xae: {  	_ = 	snop;
	(pc) =	sbr.rel @p0 .LBB2_1-.Ltmp2, $1  }
0xaf: {  	_ =	sdelay $0x3  }
0xb0: {  	_ =	sfence.sel $0x180000  }
0xb1: {  	[bflag:$0x0] =	sbarrier.arrive $0xFFFF  }
0xb2: {  	_ =	strace $0x9000004A  }
0xb3: {  	s0 =	stileid.u32;
	[bflag:$0x2] =	sbarrier.arrive $0xFFFF  }
0xb4: {  	p0 =	sne.s32 s0, $0x0;
	s0 =	rddreg [dreg:$0x3]  }
0xb5: {  	s0 =	sadd.s32 @!p0 $0x100000, s0  }
0xb6: {  	[sflag:s0] =	ssyncadd.tile.s32 @!p0 $0x1;
	_ =	shalt  }
.Lfunc_end2:
_tile_overlayer_lowered:
.L_overlay_start_2:
0xb7: {  	(tag) =	ssettag $0x2  }
0xb8: {  	s0 =	rddreg [dreg:$0x0];
	s2 =	stileid.u32  }
0xb9: {  	s1 =	rddreg [dreg:$0x1];
	p0 =	sne.s32 s2, $0x0  }
0xba: {  	s3 =	rddreg [dreg:$0x2];
	[bflag:$0x3] =	sbarrier.arrive $0xFFFF;
	s2 =	simm.s32 @!p0 $0x1C02  }
0xbb: {  	[timem:s3], [sflag:s2] =	dma.local @!p0 [hbm:s0], s1  }
0xbc: {  	s0 =	simm.s32 @!p0 $0x2  }
0xbd: {  	_ =	swait.ge @!p0 [sflag:s0], s1  }
0xbe: {  	s1 =	ssub.s32 @!p0 $0x0, s1;
	[sflag:s0] =	ssyncset.done @!p0 $0x0  }
0xbf: {  	[sflag:s0] =	ssyncadd.s32 @!p0 s1  }
0xc0: {  	[bflag:$0x3] =	sbarrier.arrive $0xFFFF  }
0xc1: {  	_ =	shalt  }

// kernel: kernel.8.cloned.1.call-start
scs
__scs_entry_jumppad:
0x0: {  	(pc) =	sbr.rel $0x88, $3  }
0x1: {  	(tag) =	ssettag $0x0;
	lr =	simm.s32 $0x1  }
0x2: {  	[smem:$0x3F99] =	sst lr;
	_ =	strace $0xD0000000  }
0x3: {  	_ = 	snop  }
0x4: {  	_ = 	snop  }
0x5: {  	_ = 	snop  }
0x6: {  	_ = 	snop  }
0x7: {  	_ = 	snop  }
__scs_overlays_trampoline_lowered:
0x8: {  	[smem:$0x3FA8] =	sst s0  }
0x9: {  	[smem:$0x3FA9] =	sst s1  }
0xa: {  	[smem:$0x3FAA] =	sst s2  }
0xb: {  	[smem:$0x3FAB] =	sst s3  }
0xc: {  	[smem:$0x3FAC] =	sst s4  }
0xd: {  	[smem:$0x3FAD] =	sst s5  }
0xe: {  	[smem:$0x3FAE] =	sst s6  }
0xf: {  	[smem:$0x3FAF] =	sst s7  }
0x10: {  	[smem:$0x3FB0] =	sst s8  }
0x11: {  	[smem:$0x3FB1] =	sst s9;
	s0 =	simm.s32 @!p0 $0x0  }
0x12: {  	s1 =	sld [smem:$0x3F97];
	s0 =	simm.s32 @p0 $0x1  }
0x13: {  	[smem:$0x3FB2] =	sst s0;
	s0 =	simm.s32 @!p1 $0x0  }
0x14: {  	s2 =	sld [smem:$0x3F96];
	s0 =	simm.s32 @p1 $0x1  }
0x15: {  	[smem:$0x3FB3] =	sst s0;
	s0 =	simm.s32 @!p2 $0x0  }
0x16: {  	s3 =	sld [smem:$0x3FDB];
	s0 =	simm.s32 @p2 $0x1  }
0x17: {  	s4 =	simm.s32 $0x1BF5;
	[smem:$0x3FB5] =	sst s0  }
0x18: {  	s0 =	sld [smem:$0x3F98];
	_ =	swait.ge [sflag:s4], $0x0  }
0x19: {  	s7 =	sld [smem:$0x3F99]  }
0x1a: {  	s8 =	sadd.s32 $0xFFFFE003, lr  }
0x1b: {  	s9 =	sadd.s32 $0xFFFFFEF7, lr;
	s5 =	simm.s32 $0xFFFFFFFF;
	p2 =	slt.u32 s8, $0xFFFFF086  }
0x1c: {  	p1 =	slt.u32 s9, $0xF7A;
	s5 =	simm.s32 @!p2 $0x0  }
0x1d: {  	s5 =	simm.s32 @p1 $0x1;
	p0 =	seq.s32 s7, s2  }
0x1e: {  	s7 =	smul.u32 @!p0 $0xF7A, s2;
	p2 =	seq.s32 @!p0 s5, $0x0  }
0x1f: {  	s9 =	smul.u32 $0xF7A, s1;
	s8 =	simm.s32 @!p0 $0x1BF5;
	p2 =	por !p2, p0  }
0x20: {  	[sflag:s8] =	ssyncset.s32 @!p0 $0xFFFFF086;
	s6 =	sadd.s32 @!p0 s3, s7;
	s7 =	simm.s32 @!p0 $0x108  }
0x21: {  	s3 =	sadd.s32 s3, s9;
	s6 =	sadd.s32 @!p0 $0x88, s6;
	s7 =	simm.s32 @p2 $0x1082  }
0x22: {  	[simem:s7], [sflag:s8] =	dma.local @!p0 [hbm:s6], $0xF7A  }
0x23: {  	s9 =	sor.u32 $0xD0000000, s2;
	s6 =	simm.s32 $0x108;
	_ =	swait.ge @!p0 [sflag:s8], $0x0  }
0x24: {  	s3 =	sadd.s32 $0x88, s3;
	s6 =	simm.s32 @!p1 $0x1082;
	[sflag:s4] =	ssyncset.s32 $0xFFFFF086  }
0x25: {  	[simem:s6], [sflag:s4] =	dma.local [hbm:s3], $0xF7A  }
0x26: {  	[smem:$0x3F99] =	sst s1;
	(tag) =	ssettag s2;
	_ =	strace s9  }
0x27: {  	s1 =	sld [smem:$0x3FA9]  }
0x28: {  	s2 =	sld [smem:$0x3FAA]  }
0x29: {  	s4 =	sld [smem:$0x3FAC]  }
0x2a: {  	p0 =	seq.s32 s5, $0x0;
	s5 =	sld [smem:$0x3FAD]  }
0x2b: {  	s6 =	sld [smem:$0x3FAE]  }
0x2c: {  	s7 =	sld [smem:$0x3FAF]  }
0x2d: {  	s3 =	simm.s32 $0x108;
	s8 =	sld [smem:$0x3FB0]  }
0x2e: {  	s3 =	simm.s32 @!p0 $0x1082;
	s9 =	sld [smem:$0x3FB1]  }
0x2f: {  	lr =	sadd.s32 s0, s3;
	s0 =	sld [smem:$0x3FA8]  }
0x30: {  	s3 =	sld [smem:$0x3FAB]  }
0x31: {  	[smem:$0x3FB4] =	sst s10  }
0x32: {  	s10 =	sld [smem:$0x3FB2];
	_ =	sdelay $0x3  }
0x33: {  	p0 =	seq.s32 s10, $0x1;
	s10 =	sld [smem:$0x3FB4];
	_ =	sdelay $0x3  }
0x34: {  	[smem:$0x3FB4] =	sst s10  }
0x35: {  	s10 =	sld [smem:$0x3FB3];
	_ =	sdelay $0x3  }
0x36: {  	p1 =	seq.s32 s10, $0x1;
	s10 =	sld [smem:$0x3FB4];
	_ =	sdelay $0x3  }
0x37: {  	[smem:$0x3FB4] =	sst s10  }
0x38: {  	s10 =	sld [smem:$0x3FB5]  }
0x39: {  	_ = 	snop;
	(pc) =	sbr.ind lr, $3  }
0x3a: {  	_ = 	snop  }
0x3b: {  	_ = 	snop  }
0x3c: {  	p2 =	seq.s32 s10, $0x1;
	s10 =	sld [smem:$0x3FB4]  }
0x3d: {  	_ =	shalt  }
0x3e: {  	_ =	shalt  }
0x3f: {  	_ =	shalt  }
0x40: {  	_ =	shalt  }
0x41: {  	_ =	shalt  }
0x42: {  	_ =	shalt  }
0x43: {  	_ =	shalt  }
0x44: {  	_ =	shalt  }
0x45: {  	_ =	shalt  }
0x46: {  	_ =	shalt  }
0x47: {  	_ =	shalt  }
0x48: {  	_ =	shalt  }
0x49: {  	_ =	shalt  }
0x4a: {  	_ =	shalt  }
0x4b: {  	_ =	shalt  }
0x4c: {  	_ =	shalt  }
0x4d: {  	_ =	shalt  }
0x4e: {  	_ =	shalt  }
0x4f: {  	_ =	shalt  }
0x50: {  	_ =	shalt  }
0x51: {  	_ =	shalt  }
0x52: {  	_ =	shalt  }
0x53: {  	_ =	shalt  }
0x54: {  	_ =	shalt  }
0x55: {  	_ =	shalt  }
0x56: {  	_ =	shalt  }
0x57: {  	_ =	shalt  }
0x58: {  	_ =	shalt  }
0x59: {  	_ =	shalt  }
0x5a: {  	_ =	shalt  }
0x5b: {  	_ =	shalt  }
0x5c: {  	_ =	shalt  }
0x5d: {  	_ =	shalt  }
0x5e: {  	_ =	shalt  }
0x5f: {  	_ =	shalt  }
0x60: {  	_ =	shalt  }
0x61: {  	_ =	shalt  }
0x62: {  	_ =	shalt  }
0x63: {  	_ =	shalt  }
0x64: {  	_ =	shalt  }
0x65: {  	_ =	shalt  }
0x66: {  	_ =	shalt  }
0x67: {  	_ =	shalt  }
0x68: {  	_ =	shalt  }
0x69: {  	_ =	shalt  }
0x6a: {  	_ =	shalt  }
0x6b: {  	_ =	shalt  }
0x6c: {  	_ =	shalt  }
0x6d: {  	_ =	shalt  }
0x6e: {  	_ =	shalt  }
0x6f: {  	_ =	shalt  }
0x70: {  	_ =	shalt  }
0x71: {  	_ =	shalt  }
0x72: {  	_ =	shalt  }
0x73: {  	_ =	shalt  }
0x74: {  	_ =	shalt  }
0x75: {  	_ =	shalt  }
0x76: {  	_ =	shalt  }
0x77: {  	_ =	shalt  }
0x78: {  	_ =	shalt  }
0x79: {  	_ =	shalt  }
0x7a: {  	_ =	shalt  }
0x7b: {  	_ =	shalt  }
0x7c: {  	_ =	shalt  }
0x7d: {  	_ =	shalt  }
0x7e: {  	_ =	shalt  }
0x7f: {  	_ =	shalt  }
0x80: {  	_ =	shalt  }
0x81: {  	_ =	shalt  }
0x82: {  	_ =	shalt  }
0x83: {  	_ =	shalt  }
0x84: {  	_ =	shalt  }
0x85: {  	_ =	shalt  }
0x86: {  	_ =	shalt  }
0x87: {  	_ =	shalt  }
.Lfunc_end0:
.L_simem_size_0:
called_computation_lowered:
.L_overlay_start_0:
0x88: {  	s2 =	sld [smem:$0x3FD9]  }
0x89: {  	s3 =	sld [smem:$0x3FFE];
	_ =	sdelay $0x1  }
0x8a: {  	s1 =	srdreg.scid  }
0x8b: {  	s0 =	sand.u32 $0x1, s1  }
0x8c: {  	s17 =	sshll.u32 s0, $0xA;
	s2 =	sadd.s32 s3, s2  }
0x8d: {  	s2 =	sadd.s32 s2, s17  }
0x8e: {  	[smem:$0x3FC0] =	sst s2  }
0x8f: {  	_ = 	snop  }
0x90: {  	s2 =	sld [smem:$0x3FD0];
	(tm) =	ssettm $0x1  }
0x91: {  	s18 =	sld [smem:$0x3FFB];
	_ =	sdelay $0x3  }
0x92: {  	_ =	strace s18  }
0x93: {  	s3 =	sld [smem:$0x3FFC];
	_ =	sdelay $0x3  }
0x94: {  	_ =	strace s3  }
0x95: {  	s3 =	sld [smem:$0x3FFD];
	_ =	sdelay $0x3  }
0x96: {  	_ =	strace s3  }
0x97: {  	_ =	strace $0x8FFFFFFF  }
0x98: {  	s19 =	sld [smem:$0x3FDB];
	_ =	sdelay $0x1  }
0x99: {  	s4 =	simm.s32 $_scs_section_size  }
0x9a: {  	s5 =	simm.s32 $_size__tile_overlayer_lowered;
	s6 =	simm.s32 $_tile_overlayer_lowered  }
0x9b: {  	s22 =	simm.s32 $0x1BFF;
	s21 =	sshll.u32 s6, $0x1;
	s3 =	sadd.s32 s4, s19  }
0x9c: {  	s7 =	simm.s32 $0x0;
	s20 =	sshll.u32 s5, $0x1;
	s5 =	sadd.s32 s21, s3  }
0x9d: {  	[timem:s7], [sflag:s22] =	dma.local [hbm:s5], s20  }
0x9e: {  	_ =	swait.ge [sflag:s22], s20  }
0x9f: {  	s4 =	ssub.s32 $0x0, s20;
	[sflag:s22] =	ssyncset.done $0x0  }
0xa0: {  	[sflag:s22] =	ssyncadd.s32 s4;
	_ =	sdelay $0x1  }
0xa1: {  	s23 =	simm.s32 $0x1B8B  }
0xa2: {  	_ =	swait.ge [sflag:s23], $0x1  }
0xa3: {  	[sflag:s23] =	ssyncset.done $0x0  }
0xa4: {  	s25 =	simm.s32 $0x1B8E;
	s24 =	sld [smem:$0x3FFE];
	[sflag:s23] =	ssyncadd.s32 $0xFFFFFFFF  }
0xa5: {  	s26 =	simm.s32 $execute0_lowered;
	[smem:$0x3FD2] =	sst s25  }
0xa6: {  	s5 =	sshll.u32 s26, $0x1;
	_ =	strace $0x80000046;
	[dreg:$0x1] =	wrdreg $0xFFFFFFFF  }
0xa7: {  	s28 =	simm.s32 $_size_execute0_lowered;
	s3 =	sadd.s32 s3, s5;
	[dreg:$0x0] =	wrdreg $0x0  }
0xa8: {  	s5 =	sshll.u32 s28, $0x1;
	[dreg:$0x2] =	wrdreg s3  }
0xa9: {  	[dreg:$0x3] =	wrdreg s5  }
0xaa: {  	[dreg:$0x4] =	wrdreg $0xC0  }
0xab: {  	_ =	task [dreg:s7], $0x5FFFF  }
0xac: {  	[dreg:$0x1] =	wrdreg $0xFFFFFFFF  }
0xad: {  	[dreg:$0x0] =	wrdreg $0x60  }
0xae: {  	[dreg:$0x2] =	wrdreg s24  }
0xaf: {  	[dreg:$0x3] =	wrdreg s2  }
0xb0: {  	[dreg:$0x4] =	wrdreg $0x9  }
0xb1: {  	_ =	task.clear_ibuf [dreg:s7], $0x5FFFF;
	_ =	strace $0x90000046  }
0xb2: {  	s29 =	simm.s32 $0x9;
	_ =	strace $0x80000048  }
0xb3: {  	_ =	swait.ge [sflag:s29], $0x1  }
0xb4: {  	[sflag:s29] =	ssyncadd.s32 $0xFFFFFFFF  }
0xb5: {  	_ =	strace $0x90000048  }
0xb6: {  	_ =	sfence  }
0xb7: {  	s30 =	sld [smem:$0x0];
	_ =	sdelay $0x2  }
0xb8: {  	s31 =	sshll.u32 s1, $0xD;
	s1 =	sshrl.u32 s1, $0x2  }
0xb9: {  	s3 =	sand.u32 $0x4000, s31;
	s1 =	sadd.s32 s1, s30  }
0xba: {  	s0 =	sor.u32 s3, s0;
	s1 =	sshll.u32 s1, $0x11  }
0xbb: {  	s0 =	sor.u32 s1, s0  }
0xbc: {  	s0 =	sadd.s32 $0x8F2B, s0  }
0xbd: {  	[sflag:s0] =	ssyncadd.remote.s32 $0x1  }
0xbe: {  	_ =	sfence.sel $0xFFFF  }
0xbf: {  	[dreg:$0x0] =	wrdreg $0xFFFFFFFF;
	(pc) =	sbr.abs _section_cstart, $3  }
0xc0: {  	[dreg:$0x1] =	wrdreg $0xFFFFFFFF  }
0xc1: {  	_ =	task.clear_ibuf [dreg:s7], $0x2FFFF;
	_ =	strace $0x9FFFFFFF  }
0xc2: {  	(tm) =	ssettm $0x7FFFFFFF  }
0xc3: {  	_ =	shalt  }
tec
execute0_lowered:
.L_overlay_start_1:
0x0: {  	(tag) =	ssettag $0x1  }
0x1: {  	s0 =	srdreg.scid  }
0x2: {  	s2 =	stileid.u32;
	s7 =	rddreg [dreg:$0x0]  }
0x3: {  	s10 =	rddreg [dreg:$0x1];
	s19 =	simm.s32 $0xC000;
	s20 =	simm.s32 $0x10000  }
0x4: {  	s21 =	simm.s32 $0x10080;
	s22 =	simm.s32 $0x10100;
	s0 =	sand.u32 $0x1, s0  }
0x5: {  	s23 =	simm.s32 $0x10180;
	s24 =	simm.s32 $0x10200;
	s1 =	sshll.u32 s0, $0x4  }
0x6: {  	s25 =	simm.s32 $0x10280;
	s3 =	sand.u32 $0x7, s2;
	s1 =	sor.u32 s2, s1  }
0x7: {  	s26 =	simm.s32 $0x10380;
	p1 =	sne.s32 s3, $0x0;
	p0 =	seq.s32 s1, $0x0  }
0x8: {  	s28 =	simm.s32 $0x0;
	s6 =	sadd.s32 $0x16A00, s7;
	p0 =	por !p1, !p0  }
0x9: {  	s0 =	ssub.s32 $0x2, s0;
	s2 =	simm.s32 $0x1;
	p0 =	por !p0, !p0  }
0xa: {  	s8 =	sshrl.u32 s0, $0x1;
	s1 =	sshrl.u32 s1, $0x3;
	s2 =	simm.s32 @!p0 $0x0  }
0xb: {  	s3 =	sshll.u32 s3, $0x6;
	s0 =	ssub.s32 s0, s8;
	s1 =	ssub.s32 s1, s2  }
0xc: {  	s16 =	smax.u32 s0, $0x1;
	s2 =	simm.s32 $0x0;
	s4 =	sshll.u32 s1, $0x9  }
0xd: {  	[smem:$0x7FF] =	sst s2;
	s1 =	sshll.u32 s1, $0xB;
	s3 =	sor.u32 s3, s4  }
0xe: {  	_ =	strace $0x80000047;
	s1 =	sand.u32 $0x1FFFF800, s1;
	s5 =	sshrl.u32 s3, $0x3  }
0xf: {  	s15 =	sadd.s32 s5, s7;
	s5 =	sadd.s32 $0x6A00, s7;
	s7 =	sadd.s32 s7, s1  }
0x10: {  	s4 =	simm.s32 $0x1;
	s10 =	sadd.s32 s10, s1;
	s8 =	sadd.s32 $0x4000, s7  }
0x11: {  	s9 =	sadd.s32 $0x2000, s7;
	s11 =	sadd.s32 $0x6600, s15;
	s12 =	sadd.s32 $0x6400, s15  }
0x12: {  	v0 =	vimm.f32 $+Inf;
	v1 =	vimm.s32 $0x0;
	v2 =	vlaneseq.u32;
	s13 =	sadd.s32 $0x6200, s15;
	s14 =	sadd.s32 $0x6000, s15;
	s15 =	sadd.s32 $0x6800, s15  }
.LBB2_1:
0x13: {  	[tilespmem:s2], [sflag:$0x1] =	stream.linear.gather [hbm4b:s8+s2], $0x4000, $0x38;
	[tilespmem:$0x10480] =	vst v63  }
0x14: {  	_ =	swait.ge [sflag:s4], $0x4000  }
0x15: {  	[sflag:s4] =	ssyncset.done $0x0  }
0x16: {  	s0 =	simm.s32 $0x4000;
	[sflag:s4] =	ssyncadd.s32 $0xFFFFC000  }
0x17: {  	[tilespmem:s0], [sflag:$0x1] =	stream.linear.gather [hbm4b:s9+s2], $0x4000, $0x38;
	[tilespmem:$0x10480] =	vst v63  }
0x18: {  	_ =	swait.ge [sflag:s4], $0x4000  }
0x19: {  	[sflag:s4] =	ssyncset.done $0x0  }
0x1a: {  	s31 =	simm.s32 $0x8000;
	[sflag:s4] =	ssyncadd.s32 $0xFFFFC000  }
0x1b: {  	[tilespmem:s31], [sflag:$0x1] =	stream.linear.gather [hbm4b:s10+s2], $0x4000, $0x38;
	[tilespmem:$0x10480] =	vst v63  }
0x1c: {  	_ =	swait.ge [sflag:s4], $0x4000  }
0x1d: {  	[sflag:s4] =	ssyncset.done $0x0  }
0x1e: {  	[sflag:s4] =	ssyncadd.s32 $0xFFFFC000  }
0x1f: {  	[tilespmem:s19], [sflag:$0x1] =	stream.linear.gather [hbm4b:s7+s2], $0x4000, $0x38;
	[tilespmem:$0x10480] =	vst v63  }
0x20: {  	_ =	swait.ge [sflag:s4], $0x4000  }
0x21: {  	[sflag:s4] =	ssyncset.done $0x0  }
0x22: {  	[sflag:s4] =	ssyncadd.s32 $0xFFFFC000  }
0x23: {  	[tilespmem:s20], [sflag:$0x1] =	stream.linear.gather [hbm4b:s11+s2], $0x40, $0x38;
	[tilespmem:$0x10480] =	vst v63  }
0x24: {  	_ =	swait.ge [sflag:s4], $0x40  }
0x25: {  	[sflag:s4] =	ssyncset.done $0x0  }
0x26: {  	[sflag:s4] =	ssyncadd.s32 $0xFFFFFFC0  }
0x27: {  	[tilespmem:s21], [sflag:$0x1] =	stream.linear.gather [hbm4b:s12+s2], $0x40, $0x38;
	[tilespmem:$0x10480] =	vst v63  }
0x28: {  	_ =	swait.ge [sflag:s4], $0x40  }
0x29: {  	[sflag:s4] =	ssyncset.done $0x0  }
0x2a: {  	[sflag:s4] =	ssyncadd.s32 $0xFFFFFFC0  }
0x2b: {  	[tilespmem:s22], [sflag:$0x1] =	stream.linear.gather [hbm4b:s13+s2], $0x40, $0x38;
	[tilespmem:$0x10480] =	vst v63  }
0x2c: {  	_ =	swait.ge [sflag:s4], $0x40  }
0x2d: {  	[sflag:s4] =	ssyncset.done $0x0  }
0x2e: {  	[sflag:s4] =	ssyncadd.s32 $0xFFFFFFC0  }
0x2f: {  	[tilespmem:s23], [sflag:$0x1] =	stream.linear.gather [hbm4b:s14+s2], $0x40, $0x38;
	[tilespmem:$0x10480] =	vst v63  }
0x30: {  	_ =	swait.ge [sflag:s4], $0x40  }
0x31: {  	[sflag:s4] =	ssyncset.done $0x0  }
0x32: {  	[sflag:s4] =	ssyncadd.s32 $0xFFFFFFC0  }
0x33: {  	[tilespmem:s24], [sflag:$0x1] =	stream.linear.gather [hbm4b:s15+s2], $0x40, $0x38;
	[tilespmem:$0x10480] =	vst v63  }
0x34: {  	_ =	swait.ge [sflag:s4], $0x40  }
0x35: {  	[sflag:s4] =	ssyncset.done $0x0  }
0x36: {  	s29 =	simm.s32 $0x0;
	[sflag:s4] =	ssyncadd.s32 $0xFFFFFFC0  }
.LBB2_2:
0x37: {  	v3 =	vmov s29;
	_ =	sdelay $0x4  }
0x38: {  	v6 =	vld.idx.msk [tilespmem:v3+s20+$0x0], $0xffff  }
0x39: {  	v7 =	vld.idx.msk [tilespmem:v3+s21+$0x0], $0xffff  }
0x3a: {  	v5 =	vld.idx.msk [tilespmem:v3+s22+$0x0], $0xffff  }
0x3b: {  	v4 =	vld.idx.msk [tilespmem:v3+s23+$0x0], $0xffff  }
0x3c: {  	v8 =	vimm.s32 $0x0;
	v3 =	vld.idx.msk [tilespmem:v3+s24+$0x0], $0xffff;
	[tilespmem:$0x10280] =	vst v0  }
0x3d: {  	[tilespmem:$0x10380] =	vst v8  }
0x3e: {  	[tilespmem:$0x10290] =	vst v0  }
0x3f: {  	[tilespmem:$0x10390] =	vst v8  }
0x40: {  	[tilespmem:$0x102A0] =	vst v0  }
0x41: {  	[tilespmem:$0x103A0] =	vst v8  }
0x42: {  	[tilespmem:$0x102B0] =	vst v0  }
0x43: {  	[tilespmem:$0x103B0] =	vst v8  }
0x44: {  	[tilespmem:$0x102C0] =	vst v0  }
0x45: {  	[tilespmem:$0x103C0] =	vst v8  }
0x46: {  	[tilespmem:$0x102D0] =	vst v0  }
0x47: {  	[tilespmem:$0x103D0] =	vst v8  }
0x48: {  	[tilespmem:$0x102E0] =	vst v0  }
0x49: {  	[tilespmem:$0x103E0] =	vst v8  }
0x4a: {  	[tilespmem:$0x102F0] =	vst v0  }
0x4b: {  	[tilespmem:$0x103F0] =	vst v8  }
0x4c: {  	[tilespmem:$0x10300] =	vst v0  }
0x4d: {  	[tilespmem:$0x10400] =	vst v8  }
0x4e: {  	[tilespmem:$0x10310] =	vst v0  }
0x4f: {  	[tilespmem:$0x10410] =	vst v8  }
0x50: {  	[tilespmem:$0x10320] =	vst v0  }
0x51: {  	[tilespmem:$0x10420] =	vst v8  }
0x52: {  	[tilespmem:$0x10330] =	vst v0  }
0x53: {  	[tilespmem:$0x10430] =	vst v8  }
0x54: {  	[tilespmem:$0x10340] =	vst v0  }
0x55: {  	[tilespmem:$0x10440] =	vst v8  }
0x56: {  	[tilespmem:$0x10350] =	vst v0  }
0x57: {  	[tilespmem:$0x10450] =	vst v8  }
0x58: {  	[tilespmem:$0x10360] =	vst v0  }
0x59: {  	[tilespmem:$0x10460] =	vst v8  }
0x5a: {  	[tilespmem:$0x10370] =	vst v0  }
0x5b: {  	s0 =	simm.s32 $0x0;
	[tilespmem:$0x10470] =	vst v8  }
0x5c: {  	s1 =	simm.s32 $0x4000;
	v9 =	vld [tilespmem:s0+$0x0]  }
0x5d: {  	v10 =	vld [tilespmem:s1+$0x0]  }
0x5e: {  	s18 =	simm.s32 $0x8000  }
0x5f: {  	v11 =	vld [tilespmem:s18+$0x0];
	_ =	sdelay $0x2  }
0x60: {  	s30 =	simm.s32 $0xC000;
	v9 =	vmul.f32 v9, v6;
	v10 =	vmul.f32 v10, v7  }
0x61: {  	v12 =	vld [tilespmem:s30+$0x0]  }
0x62: {  	v9 =	vadd.f32 v10, v9;
	v10 =	vmul.f32 v11, v5;
	_ =	sdelay $0x1  }
0x63: {  	v9 =	vadd.f32 v10, v9;
	_ =	sdelay $0x1  }
0x64: {  	v10 =	vadd.f32 v12, v4;
	v9 =	vadd.f32 v9, v9;
	_ =	sdelay $0x1  }
0x65: {  	v9 =	vsub.f32 v10, v9;
	_ =	sdelay $0x1  }
0x66: {  	v9 =	vmax.f32 v9, $0.0e+00  }
0x67: {  	vm0 =	vle.f32 v9, v3  }
0x68: {  	v10 =	vsel vm0, $0x1, v1  }
0x69: {  	(xrf0) =	vadd.scan.msk.s32 $0xffff, v10;
	_ =	sdelay $0x5  }
0x6a: {  	v10, _, _ =	vpop (xrf0)  }
0x6b: {  	v10 =	vadd.s32 v10, v8  }
0x6c: {  	v10 =	vadd.s32 $0xFFFFFFFF, v10  }
0x6d: {  	vm1 =	vlt.s32 v10, $0xFF  }
0x6e: {  	v10 =	vnsel vm1, $0xFF, v10;
	_ =	sdelay $0x4  }
0x6f: {  	[tilespmem:v10+s25+$0x0] =	vst.idx.msk vm0, v9;
	v9 =	vor.u32 s0, v2  }
0x70: {  	s31 =	simm.s32 $0x10;
	v11 =	vmpcnt.ones.xlane vm0;
	[tilespmem:v10+s26+$0x0] =	vst.idx.msk vm0, v9  }
0x71: {  	s1 =	simm.s32 $0x4010;
	v10 =	vld [tilespmem:s31+$0x0]  }
0x72: {  	v9 =	vadd.s32 v8, v11;
	v11 =	vld [tilespmem:s1+$0x0]  }
0x73: {  	s17 =	simm.s32 $0x20;
	s18 =	simm.s32 $0x10;
	s0 =	simm.s32 $0x8010;
	v8 =	vmov v9  }
.LBB2_3:
0x74: {  	p0 =	sne.s32 s17, $0x3FF0;
	v12 =	vld [tilespmem:s0+$0x0];
	_ =	sdelay $0x2  }
0x75: {  	s30 =	sadd.s32 $0x10, s30;
	v10 =	vmul.f32 v10, v6;
	v11 =	vmul.f32 v11, v7  }
0x76: {  	v13 =	vld [tilespmem:s30+$0x0]  }
0x77: {  	v10 =	vadd.f32 v11, v10;
	v11 =	vmul.f32 v12, v5;
	_ =	sdelay $0x1  }
0x78: {  	v10 =	vadd.f32 v11, v10;
	_ =	sdelay $0x1  }
0x79: {  	v11 =	vadd.f32 v13, v4;
	v10 =	vadd.f32 v10, v10;
	_ =	sdelay $0x1  }
0x7a: {  	v10 =	vsub.f32 v11, v10;
	_ =	sdelay $0x1  }
0x7b: {  	v10 =	vmax.f32 v10, $0.0e+00  }
0x7c: {  	vm0 =	vle.f32 v10, v3  }
0x7d: {  	v11 =	vsel vm0, $0x1, v1;
	v12 =	vmpcnt.ones.xlane vm0  }
0x7e: {  	(xrf0) =	vadd.scan.msk.s32 $0xffff, v11  }
0x7f: {  	v9 =	vadd.s32 v9, v12;
	_ =	sdelay $0x4  }
0x80: {  	v11, _, _ =	vpop (xrf0)  }
0x81: {  	v11 =	vadd.s32 v11, v8;
	v8 =	vmov v9  }
0x82: {  	v11 =	vadd.s32 $0xFFFFFFFF, v11  }
0x83: {  	vm1 =	vlt.s32 v11, $0xFF  }
0x84: {  	v11 =	vnsel vm1, $0xFF, v11;
	_ =	sdelay $0x4  }
.Ltmp0:
0x85: {  	[tilespmem:v11+s25+$0x0] =	vst.idx.msk vm0, v10;
	v10 =	vor.u32 s31, v2;
	s31 =	smov.u32 s17;
	(pc) =	sbr.rel @p0 .LBB2_3-.Ltmp0, $4  }
0x86: {  	s18 =	sadd.s32 $0x10, s18;
	[tilespmem:v11+s26+$0x0] =	vst.idx.msk vm0, v10  }
0x87: {  	s1 =	sadd.s32 $0x10, s1;
	v10 =	vld [tilespmem:s18+$0x0]  }
0x88: {  	v11 =	vld [tilespmem:s1+$0x0]  }
0x89: {  	s0 =	sadd.s32 $0x10, s0;
	s17 =	sadd.s32 $0x10, s17  }
0x8a: {  	v9 =	vld [tilespmem:s0+$0x0];
	_ =	sdelay $0x2  }
0x8b: {  	s18 =	sadd.s32 $0x10, s30;
	v6 =	vmul.f32 v10, v6;
	v7 =	vmul.f32 v11, v7  }
0x8c: {  	v62 =	vld [tilespmem:s18+$0x0]  }
0x8d: {  	v6 =	vadd.f32 v7, v6;
	v5 =	vmul.f32 v9, v5;
	_ =	sdelay $0x1  }
0x8e: {  	v5 =	vadd.f32 v5, v6;
	_ =	sdelay $0x1  }
0x8f: {  	v4 =	vadd.f32 v62, v4;
	v5 =	vadd.f32 v5, v5;
	_ =	sdelay $0x1  }
0x90: {  	v4 =	vsub.f32 v4, v5;
	_ =	sdelay $0x1  }
0x91: {  	v4 =	vmax.f32 v4, $0.0e+00  }
0x92: {  	vm0 =	vle.f32 v4, v3  }
0x93: {  	v3 =	vsel vm0, $0x1, v1  }
0x94: {  	(xrf0) =	vadd.scan.msk.s32 $0xffff, v3;
	_ =	sdelay $0x5  }
0x95: {  	v3, _, _ =	vpop (xrf0)  }
0x96: {  	v3 =	vadd.s32 v3, v8  }
0x97: {  	v3 =	vadd.s32 $0xFFFFFFFF, v3  }
0x98: {  	vm1 =	vlt.s32 v3, $0xFF  }
0x99: {  	v3 =	vnsel vm1, $0xFF, v3;
	_ =	sdelay $0x2  }
0x9a: {  	s30 =	sadd.s32 s3, s29  }
0x9b: {  	s0 =	sshll.u32 s30, $0x5  }
0x9c: {  	v63 =	vor.u32 s31, v2;
	s0 =	sand.u32 $0x1FFFFFE0, s0;
	[tilespmem:v3+s25+$0x0] =	vst.idx.msk vm0, v4  }
0x9d: {  	s1 =	sadd.s32 s5, s0;
	[tilespmem:v3+s26+$0x0] =	vst.idx.msk vm0, v63  }
0x9e: {  	[hbm4b:s1+s2] =	stream.linear.scatter [tilespmem:s25], [sflag:$0x1], $0x100, $0x38;
	[tilespmem:$0x10480] =	vst v63  }
0x9f: {  	s29 =	sadd.s32 $0x1, s29;
	_ =	swait.ge [sflag:s4], $0x100  }
0xa0: {  	p0 =	sne.s32 s29, $0x40;
	[sflag:s4] =	ssyncset.done $0x0  }
.Ltmp1:
0xa1: {  	s0 =	sadd.s32 s6, s0;
	[sflag:s4] =	ssyncadd.s32 $0xFFFFFF00;
	(pc) =	sbr.rel @p0 .LBB2_2-.Ltmp1, $4  }
0xa2: {  	[hbm4b:s0+s2] =	stream.linear.scatter [tilespmem:s26], [sflag:$0x1], $0x100, $0x38;
	[tilespmem:$0x10480] =	vst v63  }
0xa3: {  	_ =	swait.ge [sflag:s4], $0x100  }
0xa4: {  	[sflag:s4] =	ssyncset.done $0x0  }
0xa5: {  	[sflag:s4] =	ssyncadd.s32 $0xFFFFFF00  }
0xa6: {  	s28 =	sadd.s32 $0x1, s28  }
0xa7: {  	p0 =	sne.s32 s28, s16  }
.Ltmp2:
0xa8: {  	_ = 	snop;
	(pc) =	sbr.rel @p0 .LBB2_1-.Ltmp2, $1  }
0xa9: {  	_ =	sdelay $0x3  }
0xaa: {  	_ =	sfence.sel $0x180000  }
0xab: {  	[bflag:$0x0] =	sbarrier.arrive $0xFFFF  }
0xac: {  	_ =	strace $0x90000047  }
0xad: {  	s0 =	stileid.u32;
	[bflag:$0x2] =	sbarrier.arrive $0xFFFF  }
0xae: {  	p0 =	sne.s32 s0, $0x0;
	s0 =	rddreg [dreg:$0x2]  }
0xaf: {  	s0 =	sadd.s32 @!p0 $0x100000, s0  }
0xb0: {  	[sflag:s0] =	ssyncadd.tile.s32 @!p0 $0x1;
	_ =	shalt  }
.Lfunc_end2:
_tile_overlayer_lowered:
.L_overlay_start_2:
0xb1: {  	(tag) =	ssettag $0x2  }
0xb2: {  	s0 =	rddreg [dreg:$0x0];
	s2 =	stileid.u32  }
0xb3: {  	s1 =	rddreg [dreg:$0x1];
	p0 =	sne.s32 s2, $0x0  }
0xb4: {  	s3 =	rddreg [dreg:$0x2];
	[bflag:$0x3] =	sbarrier.arrive $0xFFFF;
	s2 =	simm.s32 @!p0 $0x1C01  }
0xb5: {  	[timem:s3], [sflag:s2] =	dma.local @!p0 [hbm:s0], s1  }
0xb6: {  	s0 =	simm.s32 @!p0 $0x1  }
0xb7: {  	_ =	swait.ge @!p0 [sflag:s0], s1  }
0xb8: {  	s1 =	ssub.s32 @!p0 $0x0, s1;
	[sflag:s0] =	ssyncset.done @!p0 $0x0  }
0xb9: {  	[sflag:s0] =	ssyncadd.s32 @!p0 s1  }
0xba: {  	[bflag:$0x3] =	sbarrier.arrive $0xFFFF  }
0xbb: {  	_ =	shalt  }

</sc_bundles>
